<compile_context>
chip_gen: v7x
topology: tpu7x:2x2x1
jax: 0.10.2.dev20260603
libtpu: 0.0.44.dev20260713+nightly
codegen_flags: <defaults>
</compile_context>

<pallas_src>
import functools

import jax
import jax.numpy as jnp
from jax import lax
from jax.experimental import pallas as pl
from jax.experimental.pallas import tpu as pltpu
from jax.experimental.pallas import tpu_sc as plsc

N_ATOMS = 1048576
N_SYSTEMS = 4096
N_TYPES = 100
N_PROPS = 32

NUM_CORES = 2
NUM_SUBCORES = 16
NUM_WORKERS = NUM_CORES * NUM_SUBCORES
SYS_PER_W = N_SYSTEMS // NUM_WORKERS
TPAD = 128
HIST_WORDS = SYS_PER_W * TPAD
CHUNK = 16384
SEARCH_ITERS = 2


def _sc_hist_body(types_hbm, sys_hbm, out_hbm,
                  tbufa, sbufa, tbufb, sbufb, hist,
                  probe1, probe2, sem1, sem2, sem3, sem4):
    wid = lax.axis_index("c") * NUM_SUBCORES + lax.axis_index("s")
    lo_sys = wid * SYS_PER_W
    hi_sys = lo_sys + SYS_PER_W

    zeros16 = jnp.zeros((16,), jnp.float32)
    ones16 = jnp.ones((16,), jnp.float32)
    lanes = lax.broadcasted_iota(jnp.int32, (16,), 0)

    def _round(lo, hi, target, pbuf, sem):
        s = (hi - lo + 15) >> 4
        p = lo + lanes * s
        pc = jnp.minimum(p, N_ATOMS - 1)
        d = pltpu.async_copy(sys_hbm.at[pc], pbuf, sem)
        return p, s, d

    def _update(lo, hi, target, p, s, pbuf):
        vals = pbuf[...]
        pred = (vals < target) & (p < hi)
        k = jnp.max(plsc.all_reduce_population_count(pred))
        lo_n = jnp.where(k > 0, lo + (k - 1) * s + 1, lo)
        hi_n = jnp.where(k < 16, jnp.minimum(hi, lo + k * s), hi)
        return lo_n, jnp.maximum(hi_n, lo_n)

    def _sbody(_, carry):
        lo1, hi1, lo2, hi2 = carry
        p1, s1, d1 = _round(lo1, hi1, lo_sys, probe1, sem1)
        p2, s2, d2 = _round(lo2, hi2, hi_sys, probe2, sem2)
        d1.wait()
        d2.wait()
        lo1n, hi1n = _update(lo1, hi1, lo_sys, p1, s1, probe1)
        lo2n, hi2n = _update(lo2, hi2, hi_sys, p2, s2, probe2)
        return (lo1n, hi1n, lo2n, hi2n)

    z = jnp.int32(0)
    n = jnp.int32(N_ATOMS)
    start, _, _, end = lax.fori_loop(0, SEARCH_ITERS, _sbody, (z, n, z, n))

    c0 = start // CHUNK
    c1 = (end + CHUNK - 1) // CHUNK

    def _issue(c, tb, sb, st, ss):
        off = pl.multiple_of(c * CHUNK, CHUNK)
        pltpu.async_copy(types_hbm.at[pl.ds(off, CHUNK)], tb, st)
        pltpu.async_copy(sys_hbm.at[pl.ds(off, CHUNK)], sb, ss)

    def _wait(tb, sb, st, ss):
        pltpu.make_async_copy(types_hbm.at[pl.ds(0, CHUNK)], tb, st).wait()
        pltpu.make_async_copy(sys_hbm.at[pl.ds(0, CHUNK)], sb, ss).wait()

    def _consume(tb, sb):
        @plsc.parallel_loop(0, CHUNK, 16, unroll=8)
        def _vec(i):
            t = tb[pl.ds(i, 16)]
            s = sb[pl.ds(i, 16)]
            d = s - lo_sys
            m = plsc.bitcast(d, jnp.uint32) < jnp.uint32(SYS_PER_W)
            key = (d << 7) + t
            ku = jnp.minimum(plsc.bitcast(key, jnp.uint32),
                             jnp.uint32(HIST_WORDS - 1))
            plsc.addupdate_scatter(hist, [plsc.bitcast(ku, jnp.int32)],
                                   ones16, mask=m)

    @pl.when(c0 < c1)
    def _():
        _issue(c0, tbufa, sbufa, sem1, sem2)

    @plsc.parallel_loop(0, HIST_WORDS + 16, 16, unroll=8)
    def _zero(i):
        hist[pl.ds(i, 16)] = zeros16

    @pl.loop(c0, c1, step=2)
    def _pair(c):
        _wait(tbufa, sbufa, sem1, sem2)

        @pl.when(c + 1 < c1)
        def _():
            _issue(c + 1, tbufb, sbufb, sem3, sem4)

        _consume(tbufa, sbufa)

        @pl.when(c + 1 < c1)
        def _():
            _wait(tbufb, sbufb, sem3, sem4)

            @pl.when(c + 2 < c1)
            def _():
                _issue(c + 2, tbufa, sbufa, sem1, sem2)

            _consume(tbufb, sbufb)

    dst = pl.multiple_of(wid * HIST_WORDS, HIST_WORDS)
    pltpu.sync_copy(hist.at[pl.ds(0, HIST_WORDS)],
                    out_hbm.at[pl.ds(dst, HIST_WORDS)])


def _sc_hist(types_i, sys_i):
    mesh = plsc.VectorSubcoreMesh(
        core_axis_name="c", subcore_axis_name="s",
        num_cores=NUM_CORES, num_subcores=NUM_SUBCORES)
    f = pl.kernel(
        _sc_hist_body,
        out_type=jax.ShapeDtypeStruct((N_SYSTEMS * TPAD,), jnp.float32),
        mesh=mesh,
        scratch_types=[
            pltpu.VMEM((CHUNK,), jnp.int32),
            pltpu.VMEM((CHUNK,), jnp.int32),
            pltpu.VMEM((CHUNK,), jnp.int32),
            pltpu.VMEM((CHUNK,), jnp.int32),
            pltpu.VMEM((HIST_WORDS + 16,), jnp.float32),
            pltpu.VMEM((16,), jnp.int32),
            pltpu.VMEM((16,), jnp.int32),
            pltpu.SemaphoreType.DMA,
            pltpu.SemaphoreType.DMA,
            pltpu.SemaphoreType.DMA,
            pltpu.SemaphoreType.DMA,
        ],
        compiler_params=pltpu.CompilerParams(
            needs_layout_passes=False,
            disable_bounds_checks=True,
            skip_device_barrier=True,
        ),
    )
    return f(types_i, sys_i)


def _mm_body(c_ref, w_ref, t2i_ref, o_ref):
    t2i = t2i_ref[...]
    oh = (t2i[:, None] ==
          lax.broadcasted_iota(jnp.int32, (N_TYPES, N_TYPES), 1)
          ).astype(jnp.float32)
    wt = jnp.dot(oh, w_ref[...], preferred_element_type=jnp.float32)
    pad = jnp.zeros((TPAD - N_TYPES, N_PROPS), jnp.float32)
    wt_pad = jnp.concatenate([wt, pad], axis=0)
    o_ref[...] = jnp.dot(c_ref[...], wt_pad,
                         preferred_element_type=jnp.float32)


def kernel(types, system_ids, weights, type_to_index):
    types_i = types.astype(jnp.int32)
    sys_i = system_ids.astype(jnp.int32)

    counts = _sc_hist(types_i, sys_i).reshape(N_SYSTEMS, TPAD)

    out = pl.pallas_call(
        _mm_body,
        out_shape=jax.ShapeDtypeStruct((N_SYSTEMS, N_PROPS), jnp.float32),
    )(counts, weights.astype(jnp.float32), type_to_index.astype(jnp.int32))
    return out

# --- scband reference (transcript-rebuilt; emitter-appended) ---
"""Pipeline reference for scband-base-composition-model-62878321213516 (READ-ONLY COPY).

The authoritative reference and input builder live on the scoring server;
editing this copy changes nothing except your own understanding.
"""

import jax, jax.numpy as jnp
import numpy as np

N_ATOMS = 1048576
N_TYPES = 100
N_PROPS = 32
N_SYSTEMS = 4096
MAX_ATOMIC_NUMBER = 100


def setup_inputs(seed: int = 0) -> dict:
    key = jax.random.key(seed)
    k1, k2, k3 = jax.random.split(key, 3)
    # atom type indices in [0, N_TYPES): harness fill=randint(0, 100).
    types = jax.random.randint(k1, (N_ATOMS,), 0, N_TYPES, dtype=jnp.int64 if jax.config.read('jax_enable_x64') else jnp.int32)
    # sorted system ids: atoms of a structure are contiguous (fill=sorted_randint)
    system_ids = jnp.sort(jax.random.randint(k2, (N_ATOMS,), 0, N_SYSTEMS, dtype=jnp.int32))
    # learned composition weights: one row per atomic type (fitted weights TensorMap block)
    weights = jax.random.normal(k3, (N_TYPES, N_PROPS), dtype=jnp.float32)
    # type_to_index buffer maps atomic number -> row in the weights table.
    # Atomic types are 1..100; here generated type indices already index rows directly,
    # so the buffer is an identity lookup over [0, N_TYPES).
    type_to_index = jnp.arange(N_TYPES, dtype=jnp.int32)
    return {"types": types, "system_ids": system_ids, "weights": weights, "type_to_index": type_to_index}


def reference(types, system_ids, weights, type_to_index):
    # BaseCompositionModel.forward for a fitted 'per_atom' invariant target,
    # aggregated per structure (sum over atoms of each system):
    #   1) map atom type -> weight-table row  (embedding lookup / gather)
    rows = jnp.take(type_to_index, types, axis=0)
    #   2) per-atom composition prediction: weights[row]
    per_atom = jnp.take(weights, rows, axis=0)  # [N_ATOMS, N_PROPS]
    #   3) sum-pool atoms into their parent structure (scatter-add / segment_sum)
    per_structure = jax.ops.segment_sum(per_atom, system_ids, num_segments=N_SYSTEMS)
    return per_structure  # [N_SYSTEMS, N_PROPS]

if __name__ == "__main__":
    import jax
    _d = setup_inputs()
    print(jax.jit(kernel)(*tuple(_d.values())))

</pallas_src>

<mosaic_0001>
#map = affine_map<(d0, d1) -> (0)>
module attributes {stable_mosaic.version = 14 : i64} {
  func.func @_sc_hist_body(%arg0: i32, %arg1: i32, %arg2: memref<1048576xi32, #tpu.memory_space<hbm>>, %arg3: memref<1048576xi32, #tpu.memory_space<hbm>>, %arg4: memref<524288xf32, #tpu.memory_space<hbm>>, %arg5: memref<16384xi32, #tpu.memory_space<vmem>>, %arg6: memref<16384xi32, #tpu.memory_space<vmem>>, %arg7: memref<16384xi32, #tpu.memory_space<vmem>>, %arg8: memref<16384xi32, #tpu.memory_space<vmem>>, %arg9: memref<16400xf32, #tpu.memory_space<vmem>>, %arg10: memref<16xi32, #tpu.memory_space<vmem>>, %arg11: memref<16xi32, #tpu.memory_space<vmem>>, %arg12: memref<!tpu.dma_semaphore, #tpu.memory_space<semaphore_mem>>, %arg13: memref<!tpu.dma_semaphore, #tpu.memory_space<semaphore_mem>>, %arg14: memref<!tpu.dma_semaphore, #tpu.memory_space<semaphore_mem>>, %arg15: memref<!tpu.dma_semaphore, #tpu.memory_space<semaphore_mem>>) attributes {dimension_semantics = [#tpu.dimension_semantics<core_parallel>, #tpu.dimension_semantics<subcore_parallel>], iteration_bounds = array<i64: 2, 16>, scalar_prefetch = 0 : i64, scratch_operands = 11 : i64, tpu.core_type = #tpu.core_type<sc_vector_subcore>, window_params = [{transform_indices = #map}, {transform_indices = #map}, {transform_indices = #map}]} {
    %mul3A = arith.constant 16 : i32
    %mul3A_0 = arith.muli %arg0, %mul3A : i32
    %add3A = arith.addi %mul3A_0, %arg1 : i32
    %mul3A_1 = arith.constant 128 : i32
    %mul3A_2 = arith.muli %add3A, %mul3A_1 : i32
    %add3A_3 = arith.constant 128 : i32
    %add3A_4 = arith.addi %mul3A_2, %add3A_3 : i32
    %broadcast_in_dim3A = arith.constant 0.000000e+00 : f32
    %broadcast_in_dim3A_5 = vector.broadcast %broadcast_in_dim3A : f32 to vector<16xf32>
    %broadcast_in_dim3A_6 = arith.constant 1.000000e+00 : f32
    %broadcast_in_dim3A_7 = vector.broadcast %broadcast_in_dim3A_6 : f32 to vector<16xf32>
    %iota3A = tpu.iota {dimensions = array<i32: 0>} : vector<16xi32>
    %scan3A = arith.constant 0 : i32
    %scan3A_8 = arith.constant 1048576 : i32
    %scan3A_9 = arith.constant 0 : i32
    %scan3A_10 = arith.constant 1048576 : i32
    %scan3A_11 = arith.constant 0 : i32
    %scan3A_12 = arith.constant 2 : i32
    %scan3A_13 = arith.addi %scan3A_11, %scan3A_12 : i32
    %scan3A_14 = arith.constant 1 : i32
    %scan3A_15:4 = scf.for %scan3A_82 = %scan3A_11 to %scan3A_13 step %scan3A_14 iter_args(%scan3A_83 = %scan3A, %scan3A_84 = %scan3A_8, %scan3A_85 = %scan3A_9, %scan3A_86 = %scan3A_10) -> (i32, i32, i32, i32)  : i32 {
      %sub3A_87 = arith.subi %scan3A_84, %scan3A_83 : i32
      %add3A_88 = arith.constant 15 : i32
      %add3A_89 = arith.addi %sub3A_87, %add3A_88 : i32
      %shift_right_arithmetic3A = arith.constant 4 : i32
      %shift_right_arithmetic3A_90 = arith.shrsi %add3A_89, %shift_right_arithmetic3A : i32
      %mul3A_91 = vector.broadcast %shift_right_arithmetic3A_90 : i32 to vector<16xi32>
      %mul3A_92 = arith.muli %iota3A, %mul3A_91 : vector<16xi32>
      %add3A_93 = vector.broadcast %scan3A_83 : i32 to vector<16xi32>
      %add3A_94 = arith.addi %add3A_93, %mul3A_92 : vector<16xi32>
      %min3A = arith.constant 1048575 : i32
      %min3A_95 = vector.broadcast %min3A : i32 to vector<16xi32>
      %min3A_96 = arith.minsi %add3A_94, %min3A_95 : vector<16xi32>
      %dma_start3A = arith.constant 0 : i32
      %dma_start3A_97 = tpu.memref_slice %arg3[%dma_start3A] : memref<1048576xi32, #tpu.memory_space<hbm>> -> memref<1048576xi32, #tpu.memory_space<hbm>>
      tpu.enqueue_indirect_dma source(%dma_start3A_97 : memref<1048576xi32, #tpu.memory_space<hbm>>) target(%arg10 : memref<16xi32, #tpu.memory_space<vmem>>) offsets(%min3A_96 : vector<16xi32>) semaphore(%arg12 : memref<!tpu.dma_semaphore, #tpu.memory_space<semaphore_mem>>)
      %sub3A_98 = arith.subi %scan3A_86, %scan3A_85 : i32
      %add3A_99 = arith.constant 15 : i32
      %add3A_100 = arith.addi %sub3A_98, %add3A_99 : i32
      %shift_right_arithmetic3A_101 = arith.constant 4 : i32
      %shift_right_arithmetic3A_102 = arith.shrsi %add3A_100, %shift_right_arithmetic3A_101 : i32
      %mul3A_103 = vector.broadcast %shift_right_arithmetic3A_102 : i32 to vector<16xi32>
      %mul3A_104 = arith.muli %iota3A, %mul3A_103 : vector<16xi32>
      %add3A_105 = vector.broadcast %scan3A_85 : i32 to vector<16xi32>
      %add3A_106 = arith.addi %add3A_105, %mul3A_104 : vector<16xi32>
      %min3A_107 = arith.constant 1048575 : i32
      %min3A_108 = vector.broadcast %min3A_107 : i32 to vector<16xi32>
      %min3A_109 = arith.minsi %add3A_106, %min3A_108 : vector<16xi32>
      %dma_start3A_110 = arith.constant 0 : i32
      %dma_start3A_111 = tpu.memref_slice %arg3[%dma_start3A_110] : memref<1048576xi32, #tpu.memory_space<hbm>> -> memref<1048576xi32, #tpu.memory_space<hbm>>
      tpu.enqueue_indirect_dma source(%dma_start3A_111 : memref<1048576xi32, #tpu.memory_space<hbm>>) target(%arg11 : memref<16xi32, #tpu.memory_space<vmem>>) offsets(%min3A_109 : vector<16xi32>) semaphore(%arg13 : memref<!tpu.dma_semaphore, #tpu.memory_space<semaphore_mem>>)
      %dma_wait3A = arith.constant 0 : i32
      %dma_wait3A_112 = tpu.memref_slice %arg3[%dma_wait3A] : memref<1048576xi32, #tpu.memory_space<hbm>> -> memref<1048576xi32, #tpu.memory_space<hbm>>
      tpu.wait_indirect_dma semaphore(%arg12 : memref<!tpu.dma_semaphore, #tpu.memory_space<semaphore_mem>>) src(%dma_wait3A_112 : memref<1048576xi32, #tpu.memory_space<hbm>>) dst(%arg10 : memref<16xi32, #tpu.memory_space<vmem>>)
      %dma_wait3A_113 = arith.constant 0 : i32
      %dma_wait3A_114 = tpu.memref_slice %arg3[%dma_wait3A_113] : memref<1048576xi32, #tpu.memory_space<hbm>> -> memref<1048576xi32, #tpu.memory_space<hbm>>
      tpu.wait_indirect_dma semaphore(%arg13 : memref<!tpu.dma_semaphore, #tpu.memory_space<semaphore_mem>>) src(%dma_wait3A_114 : memref<1048576xi32, #tpu.memory_space<hbm>>) dst(%arg11 : memref<16xi32, #tpu.memory_space<vmem>>)
      %get3A = arith.constant 0 : index
      %get3A_115 = tpu.vector_load %arg10[%get3A] {strides = array<i32>} : memref<16xi32, #tpu.memory_space<vmem>>, vector<16xi32>,
      %lt3A_116 = vector.broadcast %mul3A_2 : i32 to vector<16xi32>
      %lt3A_117 = arith.cmpi slt, %get3A_115, %lt3A_116 : vector<16xi32>
      %lt3A_118 = vector.broadcast %scan3A_84 : i32 to vector<16xi32>
      %lt3A_119 = arith.cmpi slt, %add3A_94, %lt3A_118 : vector<16xi32>
      %and3A_120 = arith.andi %lt3A_117, %lt3A_119 : vector<16xi1>
      %all_reduce_population_count3A = tpu.all_reduce %and3A_120 {dim = 0 : i64, kind = #tpu.reduction_kind<sum>} : vector<16xi1> -> vector<16xi32>
      %reduce_max3A = arith.constant true
      %reduce_max3A_121 = vector.broadcast %reduce_max3A : i1 to vector<16xi1>
      %reduce_max3A_122 = arith.constant -2147483648 : i32
      %reduce_max3A_123 = vector.broadcast %reduce_max3A_122 : i32 to vector<16xi32>
      %reduce_max3A_124 = arith.xori %all_reduce_population_count3A, %reduce_max3A_123 : vector<16xi32>
      %reduce_max3A_125 = tpu.scan <max>, %reduce_max3A_124 masked %reduce_max3A_121 : vector<16xi32>, vector<16xi1> -> vector<16xi32>
      %reduce_max3A_126 = arith.xori %reduce_max3A_125, %reduce_max3A_123 : vector<16xi32>
      %reduce_max3A_127 = vector.extract %reduce_max3A_126[15] : i32 from vector<16xi32>
      %gt3A = arith.constant 0 : i32
      %gt3A_128 = arith.cmpi sgt, %reduce_max3A_127, %gt3A : i32
      %sub3A_129 = arith.constant 1 : i32
      %sub3A_130 = arith.subi %reduce_max3A_127, %sub3A_129 : i32
      %mul3A_131 = arith.muli %sub3A_130, %shift_right_arithmetic3A_90 : i32
      %add3A_132 = arith.addi %scan3A_83, %mul3A_131 : i32
      %add3A_133 = arith.constant 1 : i32
      %add3A_134 = arith.addi %add3A_132, %add3A_133 : i32
      %select_n3A_135 = arith.select %gt3A_128, %add3A_134, %scan3A_83 : i32
      %lt3A_136 = arith.constant 16 : i32
      %lt3A_137 = arith.cmpi slt, %reduce_max3A_127, %lt3A_136 : i32
      %mul3A_138 = arith.muli %reduce_max3A_127, %shift_right_arithmetic3A_90 : i32
      %add3A_139 = arith.addi %scan3A_83, %mul3A_138 : i32
      %min3A_140 = arith.minsi %scan3A_84, %add3A_139 : i32
      %select_n3A_141 = arith.select %lt3A_137, %min3A_140, %scan3A_84 : i32
      %max3A = arith.maxsi %select_n3A_141, %select_n3A_135 : i32
      %get3A_142 = arith.constant 0 : index
      %get3A_143 = tpu.vector_load %arg11[%get3A_142] {strides = array<i32>} : memref<16xi32, #tpu.memory_space<vmem>>, vector<16xi32>,
      %lt3A_144 = vector.broadcast %add3A_4 : i32 to vector<16xi32>
      %lt3A_145 = arith.cmpi slt, %get3A_143, %lt3A_144 : vector<16xi32>
      %lt3A_146 = vector.broadcast %scan3A_86 : i32 to vector<16xi32>
      %lt3A_147 = arith.cmpi slt, %add3A_106, %lt3A_146 : vector<16xi32>
      %and3A_148 = arith.andi %lt3A_145, %lt3A_147 : vector<16xi1>
      %all_reduce_population_count3A_149 = tpu.all_reduce %and3A_148 {dim = 0 : i64, kind = #tpu.reduction_kind<sum>} : vector<16xi1> -> vector<16xi32>
      %reduce_max3A_150 = arith.constant true
      %reduce_max3A_151 = vector.broadcast %reduce_max3A_150 : i1 to vector<16xi1>
      %reduce_max3A_152 = arith.constant -2147483648 : i32
      %reduce_max3A_153 = vector.broadcast %reduce_max3A_152 : i32 to vector<16xi32>
      %reduce_max3A_154 = arith.xori %all_reduce_population_count3A_149, %reduce_max3A_153 : vector<16xi32>
      %reduce_max3A_155 = tpu.scan <max>, %reduce_max3A_154 masked %reduce_max3A_151 : vector<16xi32>, vector<16xi1> -> vector<16xi32>
      %reduce_max3A_156 = arith.xori %reduce_max3A_155, %reduce_max3A_153 : vector<16xi32>
      %reduce_max3A_157 = vector.extract %reduce_max3A_156[15] : i32 from vector<16xi32>
      %gt3A_158 = arith.constant 0 : i32
      %gt3A_159 = arith.cmpi sgt, %reduce_max3A_157, %gt3A_158 : i32
      %sub3A_160 = arith.constant 1 : i32
      %sub3A_161 = arith.subi %reduce_max3A_157, %sub3A_160 : i32
      %mul3A_162 = arith.muli %sub3A_161, %shift_right_arithmetic3A_102 : i32
      %add3A_163 = arith.addi %scan3A_85, %mul3A_162 : i32
      %add3A_164 = arith.constant 1 : i32
      %add3A_165 = arith.addi %add3A_163, %add3A_164 : i32
      %select_n3A_166 = arith.select %gt3A_159, %add3A_165, %scan3A_85 : i32
      %lt3A_167 = arith.constant 16 : i32
      %lt3A_168 = arith.cmpi slt, %reduce_max3A_157, %lt3A_167 : i32
      %mul3A_169 = arith.muli %reduce_max3A_157, %shift_right_arithmetic3A_102 : i32
      %add3A_170 = arith.addi %scan3A_85, %mul3A_169 : i32
      %min3A_171 = arith.minsi %scan3A_86, %add3A_170 : i32
      %select_n3A_172 = arith.select %lt3A_168, %min3A_171, %scan3A_86 : i32
      %max3A_173 = arith.maxsi %select_n3A_172, %select_n3A_166 : i32
      scf.yield %select_n3A_135, %max3A, %select_n3A_166, %max3A_173 : i32, i32, i32, i32
    }
    %scan3A_16 = arith.constant 2 : i32
    %jit3A = arith.constant 16384 : i32
    %div3A = arith.divsi %scan3A_15#0, %jit3A : i32
    %sign3A = arith.constant 0 : i32
    %sign3A_17 = arith.cmpi sgt, %scan3A_15#0, %sign3A : i32
    %sign3A_18 = arith.extui %sign3A_17 : i1 to i32
    %sign3A_19 = arith.constant 0 : i32
    %sign3A_20 = arith.cmpi slt, %scan3A_15#0, %sign3A_19 : i32
    %sign3A_21 = arith.extui %sign3A_20 : i1 to i32
    %sign3A_22 = arith.subi %sign3A_18, %sign3A_21 : i32
    %sign3A_23 = arith.constant 0 : i32
    %sign3A_24 = arith.cmpi sgt, %jit3A, %sign3A_23 : i32
    %sign3A_25 = arith.extui %sign3A_24 : i1 to i32
    %sign3A_26 = arith.constant 0 : i32
    %sign3A_27 = arith.cmpi slt, %jit3A, %sign3A_26 : i32
    %sign3A_28 = arith.extui %sign3A_27 : i1 to i32
    %sign3A_29 = arith.subi %sign3A_25, %sign3A_28 : i32
    %ne3A = arith.cmpi ne, %sign3A_22, %sign3A_29 : i32
    %rem3A = arith.remsi %scan3A_15#0, %jit3A : i32
    %ne3A_30 = arith.constant 0 : i32
    %ne3A_31 = arith.cmpi ne, %rem3A, %ne3A_30 : i32
    %and3A = arith.andi %ne3A, %ne3A_31 : i1
    %sub3A = arith.constant 1 : i32
    %sub3A_32 = arith.subi %div3A, %sub3A : i32
    %select_n3A = arith.select %and3A, %sub3A_32, %div3A : i32
    %add3A_33 = arith.constant 16384 : i32
    %add3A_34 = arith.addi %scan3A_15#3, %add3A_33 : i32
    %sub3A_35 = arith.constant 1 : i32
    %sub3A_36 = arith.subi %add3A_34, %sub3A_35 : i32
    %jit3A_37 = arith.constant 16384 : i32
    %div3A_38 = arith.divsi %sub3A_36, %jit3A_37 : i32
    %sign3A_39 = arith.constant 0 : i32
    %sign3A_40 = arith.cmpi sgt, %sub3A_36, %sign3A_39 : i32
    %sign3A_41 = arith.extui %sign3A_40 : i1 to i32
    %sign3A_42 = arith.constant 0 : i32
    %sign3A_43 = arith.cmpi slt, %sub3A_36, %sign3A_42 : i32
    %sign3A_44 = arith.extui %sign3A_43 : i1 to i32
    %sign3A_45 = arith.subi %sign3A_41, %sign3A_44 : i32
    %sign3A_46 = arith.constant 0 : i32
    %sign3A_47 = arith.cmpi sgt, %jit3A_37, %sign3A_46 : i32
    %sign3A_48 = arith.extui %sign3A_47 : i1 to i32
    %sign3A_49 = arith.constant 0 : i32
    %sign3A_50 = arith.cmpi slt, %jit3A_37, %sign3A_49 : i32
    %sign3A_51 = arith.extui %sign3A_50 : i1 to i32
    %sign3A_52 = arith.subi %sign3A_48, %sign3A_51 : i32
    %ne3A_53 = arith.cmpi ne, %sign3A_45, %sign3A_52 : i32
    %rem3A_54 = arith.remsi %sub3A_36, %jit3A_37 : i32
    %ne3A_55 = arith.constant 0 : i32
    %ne3A_56 = arith.cmpi ne, %rem3A_54, %ne3A_55 : i32
    %and3A_57 = arith.andi %ne3A_53, %ne3A_56 : i1
    %sub3A_58 = arith.constant 1 : i32
    %sub3A_59 = arith.subi %div3A_38, %sub3A_58 : i32
    %select_n3A_60 = arith.select %and3A_57, %sub3A_59, %div3A_38 : i32
    %lt3A = arith.cmpi slt, %select_n3A, %select_n3A_60 : i32
    %convert_element_type3A = arith.extui %lt3A : i1 to i32
    %cond3A = arith.constant 0 : i32
    %cond3A_61 = arith.cmpi ne, %convert_element_type3A, %cond3A : i32
    scf.if %cond3A_61 {
      %mul3A_82 = arith.constant 16384 : i32
      %mul3A_83 = arith.muli %select_n3A, %mul3A_82 : i32
      %multiple_of3A_84 = tpu.assume_multiple %mul3A_83, 16384 : i32
      %dma_start3A = tpu.memref_slice %arg2[%multiple_of3A_84] : memref<1048576xi32, #tpu.memory_space<hbm>> -> memref<16384xi32, #tpu.memory_space<hbm>>
      %dma_start3A_85 = tpu.memref_slice %arg2[%multiple_of3A_84] : memref<1048576xi32, #tpu.memory_space<hbm>> -> memref<16384xi32, #tpu.memory_space<hbm>>
      tpu.enqueue_dma source(%dma_start3A_85 : memref<16384xi32, #tpu.memory_space<hbm>>) target(%arg5 : memref<16384xi32, #tpu.memory_space<vmem>>) target_semaphore(%arg12 : memref<!tpu.dma_semaphore, #tpu.memory_space<semaphore_mem>>)
      %dma_start3A_86 = tpu.memref_slice %arg3[%multiple_of3A_84] : memref<1048576xi32, #tpu.memory_space<hbm>> -> memref<16384xi32, #tpu.memory_space<hbm>>
      %dma_start3A_87 = tpu.memref_slice %arg3[%multiple_of3A_84] : memref<1048576xi32, #tpu.memory_space<hbm>> -> memref<16384xi32, #tpu.memory_space<hbm>>
      tpu.enqueue_dma source(%dma_start3A_87 : memref<16384xi32, #tpu.memory_space<hbm>>) target(%arg6 : memref<16384xi32, #tpu.memory_space<vmem>>) target_semaphore(%arg13 : memref<!tpu.dma_semaphore, #tpu.memory_space<semaphore_mem>>)
    } else {
    }
    %parallel_loop3A = arith.constant 0 : i32
    %parallel_loop3A_62 = arith.constant 16400 : i32
    %parallel_loop3A_63 = arith.constant 16 : i32
    scf.for %parallel_loop3A_82 = %parallel_loop3A to %parallel_loop3A_62 step %parallel_loop3A_63  : i32 {
      %parallel_loop3A_83 = arith.index_cast %parallel_loop3A_82 : i32 to index
      %parallel_loop3A_84 = tpu.vector_load %arg9[%parallel_loop3A_83] {strides = array<i32>} : memref<16400xf32, #tpu.memory_space<vmem>>, vector<16xf32>,
      tpu.vector_store %arg9[%parallel_loop3A_83], %broadcast_in_dim3A_5 {strides = array<i32>} : memref<16400xf32, #tpu.memory_space<vmem>>, vector<16xf32>,
    } {sc.loop_unroll_factor = 8 : i64, sc.parallel_access}
    %sub3A_64 = arith.subi %select_n3A_60, %select_n3A : i32
    %sub3A_65 = arith.constant 2 : i32
    %sub3A_66 = arith.constant 1 : i32
    %sub3A_67 = arith.subi %sub3A_65, %sub3A_66 : i32
    %add3A_68 = arith.addi %sub3A_64, %sub3A_67 : i32
    %div3A_69 = arith.constant 2 : i32
    %div3A_70 = arith.divsi %add3A_68, %div3A_69 : i32
    %while3A = arith.constant 2 : i32
    %while3A_71 = arith.constant 0 : i32
    %while3A_72 = arith.subi %div3A_70, %while3A_71 : i32
    %while3A_73 = arith.addi %while3A_71, %while3A_72 : i32
    %while3A_74 = arith.constant 1 : i32
    %while3A_75 = arith.divsi %while3A_72, %while3A_74 : i32
    %while3A_76 = arith.muli %while3A_75, %while3A_74 : i32
    %while3A_77 = arith.addi %while3A_71, %while3A_76 : i32
    %while3A_78 = arith.constant 1 : i32
    scf.for %while3A_82 = %while3A_71 to %while3A_77 step %while3A_78  : i32 {
      %mul3A_83 = arith.muli %while3A_82, %while3A : i32
      %add3A_84 = arith.addi %select_n3A, %mul3A_83 : i32
      %dma_wait3A = arith.constant 0 : i32
      %dma_wait3A_85 = tpu.memref_slice %arg2[%dma_wait3A] : memref<1048576xi32, #tpu.memory_space<hbm>> -> memref<16384xi32, #tpu.memory_space<hbm>>
      %dma_wait3A_86 = arith.constant 0 : i32
      %dma_wait3A_87 = tpu.memref_slice %arg2[%dma_wait3A_86] : memref<1048576xi32, #tpu.memory_space<hbm>> -> memref<16384xi32, #tpu.memory_space<hbm>>
      tpu.wait_dma2 semaphore(%arg12 : memref<!tpu.dma_semaphore, #tpu.memory_space<semaphore_mem>>) src(%dma_wait3A_87 : memref<16384xi32, #tpu.memory_space<hbm>>) dst(%arg5 : memref<16384xi32, #tpu.memory_space<vmem>>)
      %dma_wait3A_88 = arith.constant 0 : i32
      %dma_wait3A_89 = tpu.memref_slice %arg3[%dma_wait3A_88] : memref<1048576xi32, #tpu.memory_space<hbm>> -> memref<16384xi32, #tpu.memory_space<hbm>>
      %dma_wait3A_90 = arith.constant 0 : i32
      %dma_wait3A_91 = tpu.memref_slice %arg3[%dma_wait3A_90] : memref<1048576xi32, #tpu.memory_space<hbm>> -> memref<16384xi32, #tpu.memory_space<hbm>>
      tpu.wait_dma2 semaphore(%arg13 : memref<!tpu.dma_semaphore, #tpu.memory_space<semaphore_mem>>) src(%dma_wait3A_91 : memref<16384xi32, #tpu.memory_space<hbm>>) dst(%arg6 : memref<16384xi32, #tpu.memory_space<vmem>>)
      %add3A_92 = arith.constant 1 : i32
      %add3A_93 = arith.addi %add3A_84, %add3A_92 : i32
      %lt3A_94 = arith.cmpi slt, %add3A_93, %select_n3A_60 : i32
      %convert_element_type3A_95 = arith.extui %lt3A_94 : i1 to i32
      %cond3A_96 = arith.constant 0 : i32
      %cond3A_97 = arith.cmpi ne, %convert_element_type3A_95, %cond3A_96 : i32
      scf.if %cond3A_97 {
        %add3A_107 = arith.constant 1 : i32
        %add3A_108 = arith.addi %add3A_84, %add3A_107 : i32
        %mul3A_109 = arith.constant 16384 : i32
        %mul3A_110 = arith.muli %add3A_108, %mul3A_109 : i32
        %multiple_of3A_111 = tpu.assume_multiple %mul3A_110, 16384 : i32
        %dma_start3A = tpu.memref_slice %arg2[%multiple_of3A_111] : memref<1048576xi32, #tpu.memory_space<hbm>> -> memref<16384xi32, #tpu.memory_space<hbm>>
        %dma_start3A_112 = tpu.memref_slice %arg2[%multiple_of3A_111] : memref<1048576xi32, #tpu.memory_space<hbm>> -> memref<16384xi32, #tpu.memory_space<hbm>>
        tpu.enqueue_dma source(%dma_start3A_112 : memref<16384xi32, #tpu.memory_space<hbm>>) target(%arg7 : memref<16384xi32, #tpu.memory_space<vmem>>) target_semaphore(%arg14 : memref<!tpu.dma_semaphore, #tpu.memory_space<semaphore_mem>>)
        %dma_start3A_113 = tpu.memref_slice %arg3[%multiple_of3A_111] : memref<1048576xi32, #tpu.memory_space<hbm>> -> memref<16384xi32, #tpu.memory_space<hbm>>
        %dma_start3A_114 = tpu.memref_slice %arg3[%multiple_of3A_111] : memref<1048576xi32, #tpu.memory_space<hbm>> -> memref<16384xi32, #tpu.memory_space<hbm>>
        tpu.enqueue_dma source(%dma_start3A_114 : memref<16384xi32, #tpu.memory_space<hbm>>) target(%arg8 : memref<16384xi32, #tpu.memory_space<vmem>>) target_semaphore(%arg15 : memref<!tpu.dma_semaphore, #tpu.memory_space<semaphore_mem>>)
      } else {
      }
      %parallel_loop3A_98 = arith.constant 0 : i32
      %parallel_loop3A_99 = arith.constant 16384 : i32
      %parallel_loop3A_100 = arith.constant 16 : i32
      scf.for %parallel_loop3A_107 = %parallel_loop3A_98 to %parallel_loop3A_99 step %parallel_loop3A_100  : i32 {
        %parallel_loop3A_108 = arith.index_cast %parallel_loop3A_107 : i32 to index
        %parallel_loop3A_109 = tpu.vector_load %arg5[%parallel_loop3A_108] {strides = array<i32>} : memref<16384xi32, #tpu.memory_space<vmem>>, vector<16xi32>,
        %parallel_loop3A_110 = arith.index_cast %parallel_loop3A_107 : i32 to index
        %parallel_loop3A_111 = tpu.vector_load %arg6[%parallel_loop3A_110] {strides = array<i32>} : memref<16384xi32, #tpu.memory_space<vmem>>, vector<16xi32>,
        %parallel_loop3A_112 = vector.broadcast %mul3A_2 : i32 to vector<16xi32>
        %parallel_loop3A_113 = arith.subi %parallel_loop3A_111, %parallel_loop3A_112 : vector<16xi32>
        %parallel_loop3A_114 = vector.bitcast %parallel_loop3A_113 : vector<16xi32> to vector<16xi32>
        %parallel_loop3A_115 = arith.constant 128 : i32
        %parallel_loop3A_116 = vector.broadcast %parallel_loop3A_115 : i32 to vector<16xi32>
        %parallel_loop3A_117 = arith.cmpi ult, %parallel_loop3A_114, %parallel_loop3A_116 : vector<16xi32>
        %parallel_loop3A_118 = arith.constant 7 : i32
        %parallel_loop3A_119 = vector.broadcast %parallel_loop3A_118 : i32 to vector<16xi32>
        %parallel_loop3A_120 = arith.shli %parallel_loop3A_113, %parallel_loop3A_119 : vector<16xi32>
        %parallel_loop3A_121 = arith.addi %parallel_loop3A_120, %parallel_loop3A_109 : vector<16xi32>
        %parallel_loop3A_122 = vector.bitcast %parallel_loop3A_121 : vector<16xi32> to vector<16xi32>
        %parallel_loop3A_123 = arith.constant 16383 : i32
        %parallel_loop3A_124 = vector.broadcast %parallel_loop3A_123 : i32 to vector<16xi32>
        %parallel_loop3A_125 = arith.minui %parallel_loop3A_122, %parallel_loop3A_124 : vector<16xi32>
        %parallel_loop3A_126 = vector.bitcast %parallel_loop3A_125 : vector<16xi32> to vector<16xi32>
        tpu.vector_store_idx %arg9[%parallel_loop3A_126], %broadcast_in_dim3A_7 masked %parallel_loop3A_117 {add = true} : memref<16400xf32, #tpu.memory_space<vmem>>[vector<16xi32>], vector<16xf32>, vector<16xi1>
      } {sc.loop_unroll_factor = 8 : i64, sc.parallel_access}
      %add3A_101 = arith.constant 1 : i32
      %add3A_102 = arith.addi %add3A_84, %add3A_101 : i32
      %lt3A_103 = arith.cmpi slt, %add3A_102, %select_n3A_60 : i32
      %convert_element_type3A_104 = arith.extui %lt3A_103 : i1 to i32
      %cond3A_105 = arith.constant 0 : i32
      %cond3A_106 = arith.cmpi ne, %convert_element_type3A_104, %cond3A_105 : i32
      scf.if %cond3A_106 {
        %dma_wait3A_107 = arith.constant 0 : i32
        %dma_wait3A_108 = tpu.memref_slice %arg2[%dma_wait3A_107] : memref<1048576xi32, #tpu.memory_space<hbm>> -> memref<16384xi32, #tpu.memory_space<hbm>>
        %dma_wait3A_109 = arith.constant 0 : i32
        %dma_wait3A_110 = tpu.memref_slice %arg2[%dma_wait3A_109] : memref<1048576xi32, #tpu.memory_space<hbm>> -> memref<16384xi32, #tpu.memory_space<hbm>>
        tpu.wait_dma2 semaphore(%arg14 : memref<!tpu.dma_semaphore, #tpu.memory_space<semaphore_mem>>) src(%dma_wait3A_110 : memref<16384xi32, #tpu.memory_space<hbm>>) dst(%arg7 : memref<16384xi32, #tpu.memory_space<vmem>>)
        %dma_wait3A_111 = arith.constant 0 : i32
        %dma_wait3A_112 = tpu.memref_slice %arg3[%dma_wait3A_111] : memref<1048576xi32, #tpu.memory_space<hbm>> -> memref<16384xi32, #tpu.memory_space<hbm>>
        %dma_wait3A_113 = arith.constant 0 : i32
        %dma_wait3A_114 = tpu.memref_slice %arg3[%dma_wait3A_113] : memref<1048576xi32, #tpu.memory_space<hbm>> -> memref<16384xi32, #tpu.memory_space<hbm>>
        tpu.wait_dma2 semaphore(%arg15 : memref<!tpu.dma_semaphore, #tpu.memory_space<semaphore_mem>>) src(%dma_wait3A_114 : memref<16384xi32, #tpu.memory_space<hbm>>) dst(%arg8 : memref<16384xi32, #tpu.memory_space<vmem>>)
        %add3A_115 = arith.constant 2 : i32
        %add3A_116 = arith.addi %add3A_84, %add3A_115 : i32
        %lt3A_117 = arith.cmpi slt, %add3A_116, %select_n3A_60 : i32
        %convert_element_type3A_118 = arith.extui %lt3A_117 : i1 to i32
        %cond3A_119 = arith.constant 0 : i32
        %cond3A_120 = arith.cmpi ne, %convert_element_type3A_118, %cond3A_119 : i32
        scf.if %cond3A_120 {
          %add3A_124 = arith.constant 2 : i32
          %add3A_125 = arith.addi %add3A_84, %add3A_124 : i32
          %mul3A_126 = arith.constant 16384 : i32
          %mul3A_127 = arith.muli %add3A_125, %mul3A_126 : i32
          %multiple_of3A_128 = tpu.assume_multiple %mul3A_127, 16384 : i32
          %dma_start3A = tpu.memref_slice %arg2[%multiple_of3A_128] : memref<1048576xi32, #tpu.memory_space<hbm>> -> memref<16384xi32, #tpu.memory_space<hbm>>
          %dma_start3A_129 = tpu.memref_slice %arg2[%multiple_of3A_128] : memref<1048576xi32, #tpu.memory_space<hbm>> -> memref<16384xi32, #tpu.memory_space<hbm>>
          tpu.enqueue_dma source(%dma_start3A_129 : memref<16384xi32, #tpu.memory_space<hbm>>) target(%arg5 : memref<16384xi32, #tpu.memory_space<vmem>>) target_semaphore(%arg12 : memref<!tpu.dma_semaphore, #tpu.memory_space<semaphore_mem>>)
          %dma_start3A_130 = tpu.memref_slice %arg3[%multiple_of3A_128] : memref<1048576xi32, #tpu.memory_space<hbm>> -> memref<16384xi32, #tpu.memory_space<hbm>>
          %dma_start3A_131 = tpu.memref_slice %arg3[%multiple_of3A_128] : memref<1048576xi32, #tpu.memory_space<hbm>> -> memref<16384xi32, #tpu.memory_space<hbm>>
          tpu.enqueue_dma source(%dma_start3A_131 : memref<16384xi32, #tpu.memory_space<hbm>>) target(%arg6 : memref<16384xi32, #tpu.memory_space<vmem>>) target_semaphore(%arg13 : memref<!tpu.dma_semaphore, #tpu.memory_space<semaphore_mem>>)
        } else {
        }
        %parallel_loop3A_121 = arith.constant 0 : i32
        %parallel_loop3A_122 = arith.constant 16384 : i32
        %parallel_loop3A_123 = arith.constant 16 : i32
        scf.for %parallel_loop3A_124 = %parallel_loop3A_121 to %parallel_loop3A_122 step %parallel_loop3A_123  : i32 {
          %parallel_loop3A_125 = arith.index_cast %parallel_loop3A_124 : i32 to index
          %parallel_loop3A_126 = tpu.vector_load %arg7[%parallel_loop3A_125] {strides = array<i32>} : memref<16384xi32, #tpu.memory_space<vmem>>, vector<16xi32>,
          %parallel_loop3A_127 = arith.index_cast %parallel_loop3A_124 : i32 to index
          %parallel_loop3A_128 = tpu.vector_load %arg8[%parallel_loop3A_127] {strides = array<i32>} : memref<16384xi32, #tpu.memory_space<vmem>>, vector<16xi32>,
          %parallel_loop3A_129 = vector.broadcast %mul3A_2 : i32 to vector<16xi32>
          %parallel_loop3A_130 = arith.subi %parallel_loop3A_128, %parallel_loop3A_129 : vector<16xi32>
          %parallel_loop3A_131 = vector.bitcast %parallel_loop3A_130 : vector<16xi32> to vector<16xi32>
          %parallel_loop3A_132 = arith.constant 128 : i32
          %parallel_loop3A_133 = vector.broadcast %parallel_loop3A_132 : i32 to vector<16xi32>
          %parallel_loop3A_134 = arith.cmpi ult, %parallel_loop3A_131, %parallel_loop3A_133 : vector<16xi32>
          %parallel_loop3A_135 = arith.constant 7 : i32
          %parallel_loop3A_136 = vector.broadcast %parallel_loop3A_135 : i32 to vector<16xi32>
          %parallel_loop3A_137 = arith.shli %parallel_loop3A_130, %parallel_loop3A_136 : vector<16xi32>
          %parallel_loop3A_138 = arith.addi %parallel_loop3A_137, %parallel_loop3A_126 : vector<16xi32>
          %parallel_loop3A_139 = vector.bitcast %parallel_loop3A_138 : vector<16xi32> to vector<16xi32>
          %parallel_loop3A_140 = arith.constant 16383 : i32
          %parallel_loop3A_141 = vector.broadcast %parallel_loop3A_140 : i32 to vector<16xi32>
          %parallel_loop3A_142 = arith.minui %parallel_loop3A_139, %parallel_loop3A_141 : vector<16xi32>
          %parallel_loop3A_143 = vector.bitcast %parallel_loop3A_142 : vector<16xi32> to vector<16xi32>
          tpu.vector_store_idx %arg9[%parallel_loop3A_143], %broadcast_in_dim3A_7 masked %parallel_loop3A_134 {add = true} : memref<16400xf32, #tpu.memory_space<vmem>>[vector<16xi32>], vector<16xf32>, vector<16xi1>
        } {sc.loop_unroll_factor = 8 : i64, sc.parallel_access}
      } else {
      }
    }
    %while3A_79 = arith.constant 1 : i32
    scf.for %while3A_82 = %while3A_77 to %while3A_73 step %while3A_79  : i32 {
      %mul3A_83 = arith.muli %while3A_82, %while3A : i32
      %add3A_84 = arith.addi %select_n3A, %mul3A_83 : i32
      %dma_wait3A = arith.constant 0 : i32
      %dma_wait3A_85 = tpu.memref_slice %arg2[%dma_wait3A] : memref<1048576xi32, #tpu.memory_space<hbm>> -> memref<16384xi32, #tpu.memory_space<hbm>>
      %dma_wait3A_86 = arith.constant 0 : i32
      %dma_wait3A_87 = tpu.memref_slice %arg2[%dma_wait3A_86] : memref<1048576xi32, #tpu.memory_space<hbm>> -> memref<16384xi32, #tpu.memory_space<hbm>>
      tpu.wait_dma2 semaphore(%arg12 : memref<!tpu.dma_semaphore, #tpu.memory_space<semaphore_mem>>) src(%dma_wait3A_87 : memref<16384xi32, #tpu.memory_space<hbm>>) dst(%arg5 : memref<16384xi32, #tpu.memory_space<vmem>>)
      %dma_wait3A_88 = arith.constant 0 : i32
      %dma_wait3A_89 = tpu.memref_slice %arg3[%dma_wait3A_88] : memref<1048576xi32, #tpu.memory_space<hbm>> -> memref<16384xi32, #tpu.memory_space<hbm>>
      %dma_wait3A_90 = arith.constant 0 : i32
      %dma_wait3A_91 = tpu.memref_slice %arg3[%dma_wait3A_90] : memref<1048576xi32, #tpu.memory_space<hbm>> -> memref<16384xi32, #tpu.memory_space<hbm>>
      tpu.wait_dma2 semaphore(%arg13 : memref<!tpu.dma_semaphore, #tpu.memory_space<semaphore_mem>>) src(%dma_wait3A_91 : memref<16384xi32, #tpu.memory_space<hbm>>) dst(%arg6 : memref<16384xi32, #tpu.memory_space<vmem>>)
      %add3A_92 = arith.constant 1 : i32
      %add3A_93 = arith.addi %add3A_84, %add3A_92 : i32
      %lt3A_94 = arith.cmpi slt, %add3A_93, %select_n3A_60 : i32
      %convert_element_type3A_95 = arith.extui %lt3A_94 : i1 to i32
      %cond3A_96 = arith.constant 0 : i32
      %cond3A_97 = arith.cmpi ne, %convert_element_type3A_95, %cond3A_96 : i32
      scf.if %cond3A_97 {
        %add3A_107 = arith.constant 1 : i32
        %add3A_108 = arith.addi %add3A_84, %add3A_107 : i32
        %mul3A_109 = arith.constant 16384 : i32
        %mul3A_110 = arith.muli %add3A_108, %mul3A_109 : i32
        %multiple_of3A_111 = tpu.assume_multiple %mul3A_110, 16384 : i32
        %dma_start3A = tpu.memref_slice %arg2[%multiple_of3A_111] : memref<1048576xi32, #tpu.memory_space<hbm>> -> memref<16384xi32, #tpu.memory_space<hbm>>
        %dma_start3A_112 = tpu.memref_slice %arg2[%multiple_of3A_111] : memref<1048576xi32, #tpu.memory_space<hbm>> -> memref<16384xi32, #tpu.memory_space<hbm>>
        tpu.enqueue_dma source(%dma_start3A_112 : memref<16384xi32, #tpu.memory_space<hbm>>) target(%arg7 : memref<16384xi32, #tpu.memory_space<vmem>>) target_semaphore(%arg14 : memref<!tpu.dma_semaphore, #tpu.memory_space<semaphore_mem>>)
        %dma_start3A_113 = tpu.memref_slice %arg3[%multiple_of3A_111] : memref<1048576xi32, #tpu.memory_space<hbm>> -> memref<16384xi32, #tpu.memory_space<hbm>>
        %dma_start3A_114 = tpu.memref_slice %arg3[%multiple_of3A_111] : memref<1048576xi32, #tpu.memory_space<hbm>> -> memref<16384xi32, #tpu.memory_space<hbm>>
        tpu.enqueue_dma source(%dma_start3A_114 : memref<16384xi32, #tpu.memory_space<hbm>>) target(%arg8 : memref<16384xi32, #tpu.memory_space<vmem>>) target_semaphore(%arg15 : memref<!tpu.dma_semaphore, #tpu.memory_space<semaphore_mem>>)
      } else {
      }
      %parallel_loop3A_98 = arith.constant 0 : i32
      %parallel_loop3A_99 = arith.constant 16384 : i32
      %parallel_loop3A_100 = arith.constant 16 : i32
      scf.for %parallel_loop3A_107 = %parallel_loop3A_98 to %parallel_loop3A_99 step %parallel_loop3A_100  : i32 {
        %parallel_loop3A_108 = arith.index_cast %parallel_loop3A_107 : i32 to index
        %parallel_loop3A_109 = tpu.vector_load %arg5[%parallel_loop3A_108] {strides = array<i32>} : memref<16384xi32, #tpu.memory_space<vmem>>, vector<16xi32>,
        %parallel_loop3A_110 = arith.index_cast %parallel_loop3A_107 : i32 to index
        %parallel_loop3A_111 = tpu.vector_load %arg6[%parallel_loop3A_110] {strides = array<i32>} : memref<16384xi32, #tpu.memory_space<vmem>>, vector<16xi32>,
        %parallel_loop3A_112 = vector.broadcast %mul3A_2 : i32 to vector<16xi32>
        %parallel_loop3A_113 = arith.subi %parallel_loop3A_111, %parallel_loop3A_112 : vector<16xi32>
        %parallel_loop3A_114 = vector.bitcast %parallel_loop3A_113 : vector<16xi32> to vector<16xi32>
        %parallel_loop3A_115 = arith.constant 128 : i32
        %parallel_loop3A_116 = vector.broadcast %parallel_loop3A_115 : i32 to vector<16xi32>
        %parallel_loop3A_117 = arith.cmpi ult, %parallel_loop3A_114, %parallel_loop3A_116 : vector<16xi32>
        %parallel_loop3A_118 = arith.constant 7 : i32
        %parallel_loop3A_119 = vector.broadcast %parallel_loop3A_118 : i32 to vector<16xi32>
        %parallel_loop3A_120 = arith.shli %parallel_loop3A_113, %parallel_loop3A_119 : vector<16xi32>
        %parallel_loop3A_121 = arith.addi %parallel_loop3A_120, %parallel_loop3A_109 : vector<16xi32>
        %parallel_loop3A_122 = vector.bitcast %parallel_loop3A_121 : vector<16xi32> to vector<16xi32>
        %parallel_loop3A_123 = arith.constant 16383 : i32
        %parallel_loop3A_124 = vector.broadcast %parallel_loop3A_123 : i32 to vector<16xi32>
        %parallel_loop3A_125 = arith.minui %parallel_loop3A_122, %parallel_loop3A_124 : vector<16xi32>
        %parallel_loop3A_126 = vector.bitcast %parallel_loop3A_125 : vector<16xi32> to vector<16xi32>
        tpu.vector_store_idx %arg9[%parallel_loop3A_126], %broadcast_in_dim3A_7 masked %parallel_loop3A_117 {add = true} : memref<16400xf32, #tpu.memory_space<vmem>>[vector<16xi32>], vector<16xf32>, vector<16xi1>
      } {sc.loop_unroll_factor = 8 : i64, sc.parallel_access}
      %add3A_101 = arith.constant 1 : i32
      %add3A_102 = arith.addi %add3A_84, %add3A_101 : i32
      %lt3A_103 = arith.cmpi slt, %add3A_102, %select_n3A_60 : i32
      %convert_element_type3A_104 = arith.extui %lt3A_103 : i1 to i32
      %cond3A_105 = arith.constant 0 : i32
      %cond3A_106 = arith.cmpi ne, %convert_element_type3A_104, %cond3A_105 : i32
      scf.if %cond3A_106 {
        %dma_wait3A_107 = arith.constant 0 : i32
        %dma_wait3A_108 = tpu.memref_slice %arg2[%dma_wait3A_107] : memref<1048576xi32, #tpu.memory_space<hbm>> -> memref<16384xi32, #tpu.memory_space<hbm>>
        %dma_wait3A_109 = arith.constant 0 : i32
        %dma_wait3A_110 = tpu.memref_slice %arg2[%dma_wait3A_109] : memref<1048576xi32, #tpu.memory_space<hbm>> -> memref<16384xi32, #tpu.memory_space<hbm>>
        tpu.wait_dma2 semaphore(%arg14 : memref<!tpu.dma_semaphore, #tpu.memory_space<semaphore_mem>>) src(%dma_wait3A_110 : memref<16384xi32, #tpu.memory_space<hbm>>) dst(%arg7 : memref<16384xi32, #tpu.memory_space<vmem>>)
        %dma_wait3A_111 = arith.constant 0 : i32
        %dma_wait3A_112 = tpu.memref_slice %arg3[%dma_wait3A_111] : memref<1048576xi32, #tpu.memory_space<hbm>> -> memref<16384xi32, #tpu.memory_space<hbm>>
        %dma_wait3A_113 = arith.constant 0 : i32
        %dma_wait3A_114 = tpu.memref_slice %arg3[%dma_wait3A_113] : memref<1048576xi32, #tpu.memory_space<hbm>> -> memref<16384xi32, #tpu.memory_space<hbm>>
        tpu.wait_dma2 semaphore(%arg15 : memref<!tpu.dma_semaphore, #tpu.memory_space<semaphore_mem>>) src(%dma_wait3A_114 : memref<16384xi32, #tpu.memory_space<hbm>>) dst(%arg8 : memref<16384xi32, #tpu.memory_space<vmem>>)
        %add3A_115 = arith.constant 2 : i32
        %add3A_116 = arith.addi %add3A_84, %add3A_115 : i32
        %lt3A_117 = arith.cmpi slt, %add3A_116, %select_n3A_60 : i32
        %convert_element_type3A_118 = arith.extui %lt3A_117 : i1 to i32
        %cond3A_119 = arith.constant 0 : i32
        %cond3A_120 = arith.cmpi ne, %convert_element_type3A_118, %cond3A_119 : i32
        scf.if %cond3A_120 {
          %add3A_124 = arith.constant 2 : i32
          %add3A_125 = arith.addi %add3A_84, %add3A_124 : i32
          %mul3A_126 = arith.constant 16384 : i32
          %mul3A_127 = arith.muli %add3A_125, %mul3A_126 : i32
          %multiple_of3A_128 = tpu.assume_multiple %mul3A_127, 16384 : i32
          %dma_start3A = tpu.memref_slice %arg2[%multiple_of3A_128] : memref<1048576xi32, #tpu.memory_space<hbm>> -> memref<16384xi32, #tpu.memory_space<hbm>>
          %dma_start3A_129 = tpu.memref_slice %arg2[%multiple_of3A_128] : memref<1048576xi32, #tpu.memory_space<hbm>> -> memref<16384xi32, #tpu.memory_space<hbm>>
          tpu.enqueue_dma source(%dma_start3A_129 : memref<16384xi32, #tpu.memory_space<hbm>>) target(%arg5 : memref<16384xi32, #tpu.memory_space<vmem>>) target_semaphore(%arg12 : memref<!tpu.dma_semaphore, #tpu.memory_space<semaphore_mem>>)
          %dma_start3A_130 = tpu.memref_slice %arg3[%multiple_of3A_128] : memref<1048576xi32, #tpu.memory_space<hbm>> -> memref<16384xi32, #tpu.memory_space<hbm>>
          %dma_start3A_131 = tpu.memref_slice %arg3[%multiple_of3A_128] : memref<1048576xi32, #tpu.memory_space<hbm>> -> memref<16384xi32, #tpu.memory_space<hbm>>
          tpu.enqueue_dma source(%dma_start3A_131 : memref<16384xi32, #tpu.memory_space<hbm>>) target(%arg6 : memref<16384xi32, #tpu.memory_space<vmem>>) target_semaphore(%arg13 : memref<!tpu.dma_semaphore, #tpu.memory_space<semaphore_mem>>)
        } else {
        }
        %parallel_loop3A_121 = arith.constant 0 : i32
        %parallel_loop3A_122 = arith.constant 16384 : i32
        %parallel_loop3A_123 = arith.constant 16 : i32
        scf.for %parallel_loop3A_124 = %parallel_loop3A_121 to %parallel_loop3A_122 step %parallel_loop3A_123  : i32 {
          %parallel_loop3A_125 = arith.index_cast %parallel_loop3A_124 : i32 to index
          %parallel_loop3A_126 = tpu.vector_load %arg7[%parallel_loop3A_125] {strides = array<i32>} : memref<16384xi32, #tpu.memory_space<vmem>>, vector<16xi32>,
          %parallel_loop3A_127 = arith.index_cast %parallel_loop3A_124 : i32 to index
          %parallel_loop3A_128 = tpu.vector_load %arg8[%parallel_loop3A_127] {strides = array<i32>} : memref<16384xi32, #tpu.memory_space<vmem>>, vector<16xi32>,
          %parallel_loop3A_129 = vector.broadcast %mul3A_2 : i32 to vector<16xi32>
          %parallel_loop3A_130 = arith.subi %parallel_loop3A_128, %parallel_loop3A_129 : vector<16xi32>
          %parallel_loop3A_131 = vector.bitcast %parallel_loop3A_130 : vector<16xi32> to vector<16xi32>
          %parallel_loop3A_132 = arith.constant 128 : i32
          %parallel_loop3A_133 = vector.broadcast %parallel_loop3A_132 : i32 to vector<16xi32>
          %parallel_loop3A_134 = arith.cmpi ult, %parallel_loop3A_131, %parallel_loop3A_133 : vector<16xi32>
          %parallel_loop3A_135 = arith.constant 7 : i32
          %parallel_loop3A_136 = vector.broadcast %parallel_loop3A_135 : i32 to vector<16xi32>
          %parallel_loop3A_137 = arith.shli %parallel_loop3A_130, %parallel_loop3A_136 : vector<16xi32>
          %parallel_loop3A_138 = arith.addi %parallel_loop3A_137, %parallel_loop3A_126 : vector<16xi32>
          %parallel_loop3A_139 = vector.bitcast %parallel_loop3A_138 : vector<16xi32> to vector<16xi32>
          %parallel_loop3A_140 = arith.constant 16383 : i32
          %parallel_loop3A_141 = vector.broadcast %parallel_loop3A_140 : i32 to vector<16xi32>
          %parallel_loop3A_142 = arith.minui %parallel_loop3A_139, %parallel_loop3A_141 : vector<16xi32>
          %parallel_loop3A_143 = vector.bitcast %parallel_loop3A_142 : vector<16xi32> to vector<16xi32>
          tpu.vector_store_idx %arg9[%parallel_loop3A_143], %broadcast_in_dim3A_7 masked %parallel_loop3A_134 {add = true} : memref<16400xf32, #tpu.memory_space<vmem>>[vector<16xi32>], vector<16xf32>, vector<16xi1>
        } {sc.loop_unroll_factor = 8 : i64, sc.parallel_access}
      } else {
      }
    }
    %mul3A_80 = arith.constant 16384 : i32
    %mul3A_81 = arith.muli %add3A, %mul3A_80 : i32
    %multiple_of3A = tpu.assume_multiple %mul3A_81, 16384 : i32
    "tpu.region"() ({
      %run_scoped3A = tpu.sem_alloc : memref<!tpu.dma_semaphore, #tpu.memory_space<semaphore_mem>>
      %dma_start3A = arith.constant 0 : i32
      %dma_start3A_82 = tpu.memref_slice %arg9[%dma_start3A] : memref<16400xf32, #tpu.memory_space<vmem>> -> memref<16384xf32, #tpu.memory_space<vmem>>
      %dma_start3A_83 = tpu.memref_slice %arg4[%multiple_of3A] : memref<524288xf32, #tpu.memory_space<hbm>> -> memref<16384xf32, #tpu.memory_space<hbm>>
      %dma_start3A_84 = tpu.memref_slice %arg4[%multiple_of3A] : memref<524288xf32, #tpu.memory_space<hbm>> -> memref<16384xf32, #tpu.memory_space<hbm>>
      %dma_start3A_85 = arith.constant 0 : i32
      %dma_start3A_86 = tpu.memref_slice %arg9[%dma_start3A_85] : memref<16400xf32, #tpu.memory_space<vmem>> -> memref<16384xf32, #tpu.memory_space<vmem>>
      tpu.enqueue_dma source(%dma_start3A_86 : memref<16384xf32, #tpu.memory_space<vmem>>) target(%dma_start3A_84 : memref<16384xf32, #tpu.memory_space<hbm>>) target_semaphore(%run_scoped3A : memref<!tpu.dma_semaphore, #tpu.memory_space<semaphore_mem>>)
      %dma_wait3A = arith.constant 0 : i32
      %dma_wait3A_87 = tpu.memref_slice %arg9[%dma_wait3A] : memref<16400xf32, #tpu.memory_space<vmem>> -> memref<16384xf32, #tpu.memory_space<vmem>>
      %dma_wait3A_88 = tpu.memref_slice %arg4[%multiple_of3A] : memref<524288xf32, #tpu.memory_space<hbm>> -> memref<16384xf32, #tpu.memory_space<hbm>>
      %dma_wait3A_89 = tpu.memref_slice %arg4[%multiple_of3A] : memref<524288xf32, #tpu.memory_space<hbm>> -> memref<16384xf32, #tpu.memory_space<hbm>>
      %dma_wait3A_90 = arith.constant 0 : i32
      %dma_wait3A_91 = tpu.memref_slice %arg9[%dma_wait3A_90] : memref<16400xf32, #tpu.memory_space<vmem>> -> memref<16384xf32, #tpu.memory_space<vmem>>
      tpu.wait_dma2 semaphore(%run_scoped3A : memref<!tpu.dma_semaphore, #tpu.memory_space<semaphore_mem>>) src(%dma_wait3A_91 : memref<16384xf32, #tpu.memory_space<vmem>>) dst(%dma_wait3A_89 : memref<16384xf32, #tpu.memory_space<hbm>>)
      tpu.yield
    }) : () -> ()
    return
  }
}

module attributes {stable_mosaic.version = 14 : i64} {
  func.func @_mm_body(%arg0: memref<4096x128xf32, #tpu.memory_space<vmem>>, %arg1: memref<100x32xf32, #tpu.memory_space<vmem>>, %arg2: memref<100xi32, #tpu.memory_space<vmem>>, %arg3: memref<4096x32xf32, #tpu.memory_space<vmem>>) attributes {dimension_semantics = [], scalar_prefetch = 0 : i64, scratch_operands = 0 : i64, tpu.core_type = #tpu.core_type<tc>} {
    %get3A = arith.constant 0 : index
    %get3A_0 = vector.load %arg2[%get3A] : memref<100xi32, #tpu.memory_space<vmem>>, vector<100xi32>
    %broadcast_in_dim3A = vector.shape_cast %get3A_0 : vector<100xi32> to vector<100x1xi32>
    %iota3A = tpu.iota {dimensions = array<i32: 1>} : vector<100x100xi32>
    %eq3A = vector.broadcast %broadcast_in_dim3A : vector<100x1xi32> to vector<100x100xi32>
    %eq3A_1 = arith.cmpi eq, %eq3A, %iota3A : vector<100x100xi32>
    %convert_element_type3A = arith.extui %eq3A_1 : vector<100x100xi1> to vector<100x100xi32>
    %convert_element_type3A_2 = arith.sitofp %convert_element_type3A : vector<100x100xi32> to vector<100x100xf32>
    %get3A_3 = arith.constant 0 : index
    %get3A_4 = arith.constant 0 : index
    %get3A_5 = vector.load %arg1[%get3A_3, %get3A_4] : memref<100x32xf32, #tpu.memory_space<vmem>>, vector<100x32xf32>
    %dot_general3A = arith.constant dense<0.000000e+00> : vector<100x32xf32>
    %dot_general3A_6 = tpu.matmul %convert_element_type3A_2, %get3A_5, %dot_general3A {dimension_numbers = #tpu.dot_dimension_numbers<[1], [0], [0], [1], [0, 0, 1, 1], [], []>, transpose_lhs_hint = false} : vector<100x100xf32>, vector<100x32xf32>, vector<100x32xf32> -> vector<100x32xf32>
    %broadcast_in_dim3A_7 = arith.constant 0.000000e+00 : f32
    %broadcast_in_dim3A_8 = vector.broadcast %broadcast_in_dim3A_7 : f32 to vector<28x32xf32>
    %concatenate3A = tpu.concatenate %dot_general3A_6, %broadcast_in_dim3A_8 in 0 : vector<100x32xf32>, vector<28x32xf32> -> vector<128x32xf32>
    %get3A_9 = arith.constant 0 : index
    %get3A_10 = arith.constant 0 : index
    %get3A_11 = vector.load %arg0[%get3A_9, %get3A_10] : memref<4096x128xf32, #tpu.memory_space<vmem>>, vector<4096x128xf32>
    %dot_general3A_12 = arith.constant dense<0.000000e+00> : vector<4096x32xf32>
    %dot_general3A_13 = tpu.matmul %get3A_11, %concatenate3A, %dot_general3A_12 {dimension_numbers = #tpu.dot_dimension_numbers<[1], [0], [0], [1], [0, 0, 1, 1], [], []>, transpose_lhs_hint = false} : vector<4096x128xf32>, vector<128x32xf32>, vector<4096x32xf32> -> vector<4096x32xf32>
    %swap3A = arith.constant 0 : index
    %swap3A_14 = arith.constant 0 : index
    %swap3A_15 = vector.load %arg3[%swap3A, %swap3A_14] : memref<4096x32xf32, #tpu.memory_space<vmem>>, vector<4096x32xf32>
    tpu.vector_store %arg3[%swap3A, %swap3A_14], %dot_general3A_13 {strides = array<i32>} : memref<4096x32xf32, #tpu.memory_space<vmem>>, vector<4096x32xf32>,
    return
  }
}

</mosaic_0001>

<sc_bundles>
// kernel: kernel.4.cloned.1.call-start
scs
__scs_entry_jumppad:
0x0: {  	(pc) =	sbr.rel $0x88, $3  }
0x1: {  	(tag) =	ssettag $0x0;
	lr =	simm.s32 $0x1  }
0x2: {  	[smem:$0x3F9D] =	sst lr;
	_ =	strace $0xD0000000  }
0x3: {  	_ = 	snop  }
0x4: {  	_ = 	snop  }
0x5: {  	_ = 	snop  }
0x6: {  	_ = 	snop  }
0x7: {  	_ = 	snop  }
__scs_overlays_trampoline_lowered:
0x8: {  	[smem:$0x3FAC] =	sst s0  }
0x9: {  	[smem:$0x3FAD] =	sst s1  }
0xa: {  	[smem:$0x3FAE] =	sst s2  }
0xb: {  	[smem:$0x3FAF] =	sst s3  }
0xc: {  	[smem:$0x3FB0] =	sst s4  }
0xd: {  	[smem:$0x3FB1] =	sst s5  }
0xe: {  	[smem:$0x3FB2] =	sst s6  }
0xf: {  	[smem:$0x3FB3] =	sst s7  }
0x10: {  	[smem:$0x3FB4] =	sst s8  }
0x11: {  	[smem:$0x3FB5] =	sst s9;
	s0 =	simm.s32 @!p0 $0x0  }
0x12: {  	s1 =	sld [smem:$0x3F9B];
	s0 =	simm.s32 @p0 $0x1  }
0x13: {  	[smem:$0x3FB6] =	sst s0;
	s0 =	simm.s32 @!p1 $0x0  }
0x14: {  	s2 =	sld [smem:$0x3F9A];
	s0 =	simm.s32 @p1 $0x1  }
0x15: {  	[smem:$0x3FB7] =	sst s0;
	s0 =	simm.s32 @!p2 $0x0  }
0x16: {  	s3 =	sld [smem:$0x3FDB];
	s0 =	simm.s32 @p2 $0x1  }
0x17: {  	s4 =	simm.s32 $0x1BF5;
	[smem:$0x3FB9] =	sst s0  }
0x18: {  	s0 =	sld [smem:$0x3F9C];
	_ =	swait.ge [sflag:s4], $0x0  }
0x19: {  	s7 =	sld [smem:$0x3F9D]  }
0x1a: {  	s8 =	sadd.s32 $0xFFFFE003, lr  }
0x1b: {  	s9 =	sadd.s32 $0xFFFFFEF7, lr;
	s5 =	simm.s32 $0xFFFFFFFF;
	p2 =	slt.u32 s8, $0xFFFFF086  }
0x1c: {  	p1 =	slt.u32 s9, $0xF7A;
	s5 =	simm.s32 @!p2 $0x0  }
0x1d: {  	s5 =	simm.s32 @p1 $0x1;
	p0 =	seq.s32 s7, s2  }
0x1e: {  	s7 =	smul.u32 @!p0 $0xF7A, s2;
	p2 =	seq.s32 @!p0 s5, $0x0  }
0x1f: {  	s9 =	smul.u32 $0xF7A, s1;
	s8 =	simm.s32 @!p0 $0x1BF5;
	p2 =	por !p2, p0  }
0x20: {  	[sflag:s8] =	ssyncset.s32 @!p0 $0xFFFFF086;
	s6 =	sadd.s32 @!p0 s3, s7;
	s7 =	simm.s32 @!p0 $0x108  }
0x21: {  	s3 =	sadd.s32 s3, s9;
	s6 =	sadd.s32 @!p0 $0x88, s6;
	s7 =	simm.s32 @p2 $0x1082  }
0x22: {  	[simem:s7], [sflag:s8] =	dma.local @!p0 [hbm:s6], $0xF7A  }
0x23: {  	s9 =	sor.u32 $0xD0000000, s2;
	s6 =	simm.s32 $0x108;
	_ =	swait.ge @!p0 [sflag:s8], $0x0  }
0x24: {  	s3 =	sadd.s32 $0x88, s3;
	s6 =	simm.s32 @!p1 $0x1082;
	[sflag:s4] =	ssyncset.s32 $0xFFFFF086  }
0x25: {  	[simem:s6], [sflag:s4] =	dma.local [hbm:s3], $0xF7A  }
0x26: {  	[smem:$0x3F9D] =	sst s1;
	(tag) =	ssettag s2;
	_ =	strace s9  }
0x27: {  	s1 =	sld [smem:$0x3FAD]  }
0x28: {  	s2 =	sld [smem:$0x3FAE]  }
0x29: {  	s4 =	sld [smem:$0x3FB0]  }
0x2a: {  	p0 =	seq.s32 s5, $0x0;
	s5 =	sld [smem:$0x3FB1]  }
0x2b: {  	s6 =	sld [smem:$0x3FB2]  }
0x2c: {  	s7 =	sld [smem:$0x3FB3]  }
0x2d: {  	s3 =	simm.s32 $0x108;
	s8 =	sld [smem:$0x3FB4]  }
0x2e: {  	s3 =	simm.s32 @!p0 $0x1082;
	s9 =	sld [smem:$0x3FB5]  }
0x2f: {  	lr =	sadd.s32 s0, s3;
	s0 =	sld [smem:$0x3FAC]  }
0x30: {  	s3 =	sld [smem:$0x3FAF]  }
0x31: {  	[smem:$0x3FB8] =	sst s10  }
0x32: {  	s10 =	sld [smem:$0x3FB6];
	_ =	sdelay $0x3  }
0x33: {  	p0 =	seq.s32 s10, $0x1;
	s10 =	sld [smem:$0x3FB8];
	_ =	sdelay $0x3  }
0x34: {  	[smem:$0x3FB8] =	sst s10  }
0x35: {  	s10 =	sld [smem:$0x3FB7];
	_ =	sdelay $0x3  }
0x36: {  	p1 =	seq.s32 s10, $0x1;
	s10 =	sld [smem:$0x3FB8];
	_ =	sdelay $0x3  }
0x37: {  	[smem:$0x3FB8] =	sst s10  }
0x38: {  	s10 =	sld [smem:$0x3FB9]  }
0x39: {  	_ = 	snop;
	(pc) =	sbr.ind lr, $3  }
0x3a: {  	_ = 	snop  }
0x3b: {  	_ = 	snop  }
0x3c: {  	p2 =	seq.s32 s10, $0x1;
	s10 =	sld [smem:$0x3FB8]  }
0x3d: {  	_ =	shalt  }
0x3e: {  	_ =	shalt  }
0x3f: {  	_ =	shalt  }
0x40: {  	_ =	shalt  }
0x41: {  	_ =	shalt  }
0x42: {  	_ =	shalt  }
0x43: {  	_ =	shalt  }
0x44: {  	_ =	shalt  }
0x45: {  	_ =	shalt  }
0x46: {  	_ =	shalt  }
0x47: {  	_ =	shalt  }
0x48: {  	_ =	shalt  }
0x49: {  	_ =	shalt  }
0x4a: {  	_ =	shalt  }
0x4b: {  	_ =	shalt  }
0x4c: {  	_ =	shalt  }
0x4d: {  	_ =	shalt  }
0x4e: {  	_ =	shalt  }
0x4f: {  	_ =	shalt  }
0x50: {  	_ =	shalt  }
0x51: {  	_ =	shalt  }
0x52: {  	_ =	shalt  }
0x53: {  	_ =	shalt  }
0x54: {  	_ =	shalt  }
0x55: {  	_ =	shalt  }
0x56: {  	_ =	shalt  }
0x57: {  	_ =	shalt  }
0x58: {  	_ =	shalt  }
0x59: {  	_ =	shalt  }
0x5a: {  	_ =	shalt  }
0x5b: {  	_ =	shalt  }
0x5c: {  	_ =	shalt  }
0x5d: {  	_ =	shalt  }
0x5e: {  	_ =	shalt  }
0x5f: {  	_ =	shalt  }
0x60: {  	_ =	shalt  }
0x61: {  	_ =	shalt  }
0x62: {  	_ =	shalt  }
0x63: {  	_ =	shalt  }
0x64: {  	_ =	shalt  }
0x65: {  	_ =	shalt  }
0x66: {  	_ =	shalt  }
0x67: {  	_ =	shalt  }
0x68: {  	_ =	shalt  }
0x69: {  	_ =	shalt  }
0x6a: {  	_ =	shalt  }
0x6b: {  	_ =	shalt  }
0x6c: {  	_ =	shalt  }
0x6d: {  	_ =	shalt  }
0x6e: {  	_ =	shalt  }
0x6f: {  	_ =	shalt  }
0x70: {  	_ =	shalt  }
0x71: {  	_ =	shalt  }
0x72: {  	_ =	shalt  }
0x73: {  	_ =	shalt  }
0x74: {  	_ =	shalt  }
0x75: {  	_ =	shalt  }
0x76: {  	_ =	shalt  }
0x77: {  	_ =	shalt  }
0x78: {  	_ =	shalt  }
0x79: {  	_ =	shalt  }
0x7a: {  	_ =	shalt  }
0x7b: {  	_ =	shalt  }
0x7c: {  	_ =	shalt  }
0x7d: {  	_ =	shalt  }
0x7e: {  	_ =	shalt  }
0x7f: {  	_ =	shalt  }
0x80: {  	_ =	shalt  }
0x81: {  	_ =	shalt  }
0x82: {  	_ =	shalt  }
0x83: {  	_ =	shalt  }
0x84: {  	_ =	shalt  }
0x85: {  	_ =	shalt  }
0x86: {  	_ =	shalt  }
0x87: {  	_ =	shalt  }
.Lfunc_end0:
.L_simem_size_0:
called_computation_lowered:
.L_overlay_start_0:
0x88: {  	s2 =	sld [smem:$0x3FD9]  }
0x89: {  	s3 =	sld [smem:$0x3FFE];
	_ =	sdelay $0x1  }
0x8a: {  	s1 =	srdreg.scid  }
0x8b: {  	s0 =	sand.u32 $0x1, s1  }
0x8c: {  	s17 =	sshll.u32 s0, $0xA;
	s2 =	sadd.s32 s3, s2  }
0x8d: {  	s2 =	sadd.s32 s2, s17  }
0x8e: {  	[smem:$0x3FC4] =	sst s2  }
0x8f: {  	_ = 	snop  }
0x90: {  	s2 =	sld [smem:$0x3FC9]  }
0x91: {  	s18 =	sld [smem:$0x3FC8];
	(tm) =	ssettm $0x1  }
0x92: {  	s4 =	sld [smem:$0x3FFB];
	_ =	sdelay $0x3  }
0x93: {  	_ =	strace s4  }
0x94: {  	s4 =	sld [smem:$0x3FFC];
	_ =	sdelay $0x3  }
0x95: {  	_ =	strace s4  }
0x96: {  	s4 =	sld [smem:$0x3FFD];
	_ =	sdelay $0x3  }
0x97: {  	_ =	strace s4  }
0x98: {  	_ =	strace $0x8FFFFFFF  }
0x99: {  	s19 =	sld [smem:$0x3FDB];
	_ =	sdelay $0x1  }
0x9a: {  	s5 =	simm.s32 $_scs_section_size  }
0x9b: {  	s6 =	simm.s32 $_size__tile_overlayer_lowered;
	s7 =	simm.s32 $_tile_overlayer_lowered  }
0x9c: {  	s22 =	simm.s32 $0x1BFF;
	s21 =	sshll.u32 s7, $0x1;
	s4 =	sadd.s32 s5, s19  }
0x9d: {  	s8 =	simm.s32 $0x0;
	s20 =	sshll.u32 s6, $0x1;
	s6 =	sadd.s32 s21, s4  }
0x9e: {  	[timem:s8], [sflag:s22] =	dma.local [hbm:s6], s20  }
0x9f: {  	_ =	swait.ge [sflag:s22], s20  }
0xa0: {  	s5 =	ssub.s32 $0x0, s20;
	[sflag:s22] =	ssyncset.done $0x0  }
0xa1: {  	[sflag:s22] =	ssyncadd.s32 s5;
	_ =	sdelay $0x1  }
0xa2: {  	s23 =	simm.s32 $0x1B8B  }
0xa3: {  	_ =	swait.ge [sflag:s23], $0x1  }
0xa4: {  	[sflag:s23] =	ssyncset.done $0x0  }
0xa5: {  	s25 =	simm.s32 $0x1B8E;
	s24 =	sld [smem:$0x3FFE];
	[sflag:s23] =	ssyncadd.s32 $0xFFFFFFFF  }
0xa6: {  	s26 =	simm.s32 $execute0_lowered;
	[smem:$0x3FD2] =	sst s25  }
0xa7: {  	s6 =	sshll.u32 s26, $0x1;
	_ =	strace $0x80000046;
	[dreg:$0x1] =	wrdreg $0xFFFFFFFF  }
0xa8: {  	s28 =	simm.s32 $_size_execute0_lowered;
	s4 =	sadd.s32 s4, s6;
	[dreg:$0x0] =	wrdreg $0x0  }
0xa9: {  	s6 =	sshll.u32 s28, $0x1;
	[dreg:$0x2] =	wrdreg s4  }
0xaa: {  	[dreg:$0x3] =	wrdreg s6  }
0xab: {  	[dreg:$0x4] =	wrdreg $0xC0  }
0xac: {  	_ =	task [dreg:s8], $0x5FFFF  }
0xad: {  	[dreg:$0x1] =	wrdreg $0xFFFFFFFF  }
0xae: {  	[dreg:$0x0] =	wrdreg $0x60  }
0xaf: {  	[dreg:$0x2] =	wrdreg s2  }
0xb0: {  	[dreg:$0x3] =	wrdreg s18  }
0xb1: {  	[dreg:$0x4] =	wrdreg s24  }
0xb2: {  	[dreg:$0x5] =	wrdreg $0x9  }
0xb3: {  	_ =	task.clear_ibuf [dreg:s8], $0x6FFFF;
	_ =	strace $0x90000046  }
0xb4: {  	s29 =	simm.s32 $0x9;
	_ =	strace $0x80000048  }
0xb5: {  	_ =	swait.ge [sflag:s29], $0x1  }
0xb6: {  	[sflag:s29] =	ssyncadd.s32 $0xFFFFFFFF  }
0xb7: {  	_ =	strace $0x90000048  }
0xb8: {  	_ =	sfence  }
0xb9: {  	s30 =	sld [smem:$0x0];
	_ =	sdelay $0x2  }
0xba: {  	s31 =	sshll.u32 s1, $0xD;
	s1 =	sshrl.u32 s1, $0x2  }
0xbb: {  	s3 =	sand.u32 $0x4000, s31;
	s1 =	sadd.s32 s1, s30  }
0xbc: {  	s0 =	sor.u32 s3, s0;
	s1 =	sshll.u32 s1, $0x11  }
0xbd: {  	s0 =	sor.u32 s1, s0  }
0xbe: {  	s0 =	sadd.s32 $0x8F2B, s0  }
0xbf: {  	[sflag:s0] =	ssyncadd.remote.s32 $0x1  }
0xc0: {  	_ =	sfence.sel $0xFFFF  }
0xc1: {  	[dreg:$0x0] =	wrdreg $0xFFFFFFFF;
	(pc) =	sbr.abs _section_cstart, $3  }
0xc2: {  	[dreg:$0x1] =	wrdreg $0xFFFFFFFF  }
0xc3: {  	_ =	task.clear_ibuf [dreg:s8], $0x2FFFF;
	_ =	strace $0x9FFFFFFF  }
0xc4: {  	(tm) =	ssettm $0x7FFFFFFF  }
0xc5: {  	_ =	shalt  }
tec
execute0_lowered:
.L_overlay_start_1:
0x0: {  	(tag) =	ssettag $0x1  }
0x1: {  	s1 =	rddreg [dreg:$0x0]  }
0x2: {  	s2 =	rddreg [dreg:$0x1]  }
0x3: {  	s5 =	rddreg [dreg:$0x2];
	s3 =	srdreg.scid  }
0x4: {  	s0 =	rddreg [dreg:$0x3];
	s4 =	simm.s32 $0x0;
	s12 =	simm.s32 $0x3  }
0x5: {  	s13 =	simm.s32 $0x4;
	s14 =	simm.s32 $0x5;
	s15 =	simm.s32 $0x0  }
0x6: {  	s6 =	sand.u32 $0x1, s3;
	s3 =	stileid.u32;
	[smem:$0x7FF] =	sst s4  }
0x7: {  	s7 =	sshll.u32 s6, $0x4;
	s6 =	ssub.s32 $0x2, s6;
	_ =	strace $0x80000047  }
.Ltmp0:
0x8: {  	s7 =	sor.u32 s3, s7;
	s9 =	sshrl.u32 s6, $0x1;
	(pc) =	sbr.rel .LBB2_1-.Ltmp0, $4  }
0x9: {  	s8 =	sshll.u32 s7, $0xB;
	s6 =	ssub.s32 s6, s9;
	s10 =	sshll.u32 s7, $0x7  }
0xa: {  	s7 =	simm.s32 $0x14080;
	s9 =	simm.s32 $0x1;
	s5 =	sadd.s32 s8, s5  }
0xb: {  	v2 =	vlaneseq.u32;
	vm0 =	vmmov $0xffff;
	v3 =	vimm.f32 $0.0e+00;
	s11 =	sadd.s32 $0x80, s10;
	s6 =	smax.u32 s6, $0x1;
	s8 =	simm.s32 $0x14100  }
0xc: {  	v4 =	vimm.f32 $1.000000000e+00;
	v0 =	vmov s10;
	s10 =	simm.s32 $0x2;
	s5 =	sadd.s32 $0xA00, s5;
	v1 =	vmov s11;
	s11 =	simm.s32 $0x10000  }
.LBB2_14:
0xd: {  	s15 =	sadd.s32 $0x1, s15  }
0xe: {  	p0 =	sne.s32 s15, s6  }
.Ltmp1:
0xf: {  	_ = 	snop;
	(pc) =	sbr.rel @!p0 .LBB2_15-.Ltmp1, $4  }
0x10: {  	[hbm4b:s5+s4] =	stream.linear.scatter [tilespmem:s11], [sflag:$0x5], $0x4000, $0x38;
	[tilespmem:$0x14180] =	vst v63  }
0x11: {  	_ =	swait.ge [sflag:s14], $0x4000  }
0x12: {  	[sflag:s14] =	ssyncset.done $0x0  }
0x13: {  	[sflag:s14] =	ssyncadd.s32 $0xFFFFC000  }
.LBB2_1:
0x14: {  	p0 =	por $0x1, $0x1;
	s18 =	simm.s32 $0x100000  }
0x15: {  	s17 =	simm.s32 $0x0;
	s19 =	simm.s32 $0x100000;
	s16 =	simm.s32 $0x0  }
.LBB2_2:
0x16: {  	s20 =	ssub.s32 s19, s16  }
0x17: {  	s20 =	sadd.s32 $0xF, s20  }
0x18: {  	s21 =	ssub.s32 s18, s17;
	s20 =	sshra.s32 s20, $0x4  }
0x19: {  	s21 =	sadd.s32 $0xF, s21;
	v5 =	vmul.u32 s20, v2  }
0x1a: {  	s21 =	sshra.s32 s21, $0x4  }
0x1b: {  	v6 =	vmul.u32 s21, v2;
	v5 =	vadd.s32 s16, v5  }
0x1c: {  	vm1 =	vlt.s32 v5, $0xFFFFF  }
0x1d: {  	v6 =	vadd.s32 s17, v6;
	v7 =	vnsel vm1, $0xFFFFF, v5  }
0x1e: {  	vm1 =	vlt.s32 v6, $0xFFFFF  }
0x1f: {  	v8 =	vnsel vm1, $0xFFFFF, v6;
	_ =	sdelay $0x2  }
0x20: {  	[tilespmem:s7], [sflag:$0x1] =	stream.indirect_vreg.gather [hbm4b:s2+s4], $0x1, v7, vm0, $0xb8;
	[tilespmem:$0x14180] =	vst v63  }
0x21: {  	_ = 	snop  }
0x22: {  	[tilespmem:s8], [sflag:$0x2] =	stream.indirect_vreg.gather [hbm4b:s2+s4], $0x1, v8, vm0, $0xb8;
	[tilespmem:$0x14180] =	vst v63  }
0x23: {  	_ =	swait.ge [sflag:s9], $0x10  }
0x24: {  	[sflag:s9] =	ssyncset.done $0x0  }
0x25: {  	[sflag:s9] =	ssyncadd.s32 $0xFFFFFFF0  }
0x26: {  	_ =	swait.ge [sflag:s10], $0x10  }
0x27: {  	[sflag:s10] =	ssyncset.done $0x0  }
0x28: {  	[sflag:s10] =	ssyncadd.s32 $0xFFFFFFF0  }
0x29: {  	v7 =	vld [tilespmem:$0x14080];
	_ =	sdelay $0x3  }
0x2a: {  	v63 =	vld [tilespmem:$0x14100]  }
0x2b: {  	vm2 =	vlt.s32 v5, s19;
	vm1 =	vlt.s32 v7, v0  }
0x2c: {  	vm1 =	vmand vm2, vm1  }
0x2d: {  	v5 =	vmpcnt.ones.xlane vm1;
	_ =	sdelay $0x1  }
0x2e: {  	vm2 =	vlt.s32 v6, s18;
	vm1 =	vlt.s32 v63, v1;
	v5 =	vxor.u32 $0x80000000, v5  }
0x2f: {  	vm1 =	vmand vm2, vm1;
	(xrf0) =	vmax.scan.msk.u32 $0xffff, v5  }
0x30: {  	v5 =	vmpcnt.ones.xlane vm1;
	_ =	sdelay $0x1  }
0x31: {  	v5 =	vxor.u32 $0x80000000, v5  }
0x32: {  	(xrf0) =	vmax.scan.msk.u32 $0xffff, v5;
	_ =	sdelay $0x1  }
0x33: {  	v5, _, _ =	vpop (xrf0)  }
0x34: {  	(v2sf) =	vpush v5, $0xF;
	_ =	sdelay $0x2  }
0x35: {  	v5, _, _ =	vpop (xrf0)  }
0x36: {  	(v2sf) =	vpush v5, $0xF;
	_ =	sdelay $0xa  }
0x37: {  	s22 =	spop (v2sf)  }
0x38: {  	s23 =	sadd.s32 $0x7FFFFFFF, s22  }
0x39: {  	s22 =	sxor.u32 $0x80000000, s22;
	s23 =	smul.u32 s20, s23  }
0x3a: {  	s20 =	smul.u32 s20, s22  }
0x3b: {  	s24 =	spop (v2sf)  }
0x3c: {  	s20 =	sadd.s32 s16, s20;
	s31 =	sxor.u32 $0x80000000, s24  }
0x3d: {  	p3 =	slt.s32 s19, s20;
	s25 =	smul.u32 s21, s31  }
0x3e: {  	p2 =	slt.s32 s22, $0x10;
	s20 =	smov.u32 @p3 s19  }
0x3f: {  	p1 =	sgt.s32 s22, $0x0;
	s19 =	smov.u32 @p2 s20;
	s20 =	sadd.s32 s17, s25  }
0x40: {  	s22 =	smov.u32 s18;
	s24 =	sadd.s32 $0x7FFFFFFF, s24;
	p2 =	slt.s32 s18, s20  }
0x41: {  	s21 =	smul.u32 s21, s24;
	s20 =	smov.u32 @p2 s18;
	p2 =	slt.s32 s31, $0x10  }
0x42: {  	s23 =	sadd.s32 s23, s16;
	s22 =	smov.u32 @p2 s20;
	p2 =	por p0, p0  }
.Ltmp2:
0x43: {  	s23 =	sadd.s32 $0x1, s23;
	s21 =	sadd.s32 s21, s17;
	(pc) =	sbr.rel @p2 .LBB2_2-.Ltmp2, $4  }
0x44: {  	s16 =	smov.u32 @p1 s23;
	p1 =	sgt.s32 s31, $0x0;
	s21 =	sadd.s32 $0x1, s21  }
0x45: {  	s17 =	smov.u32 @p1 s21;
	p1 =	sgt.s32 s19, s16;
	s21 =	smov.u32 s16  }
0x46: {  	s21 =	smov.u32 @p1 s19;
	s18 =	smov.u32 s17;
	p0 =	sgt.s32 s22, s17  }
0x47: {  	s19 =	smov.u32 s21;
	s18 =	smov.u32 @p0 s22;
	p0 =	por $0x0, $0x0  }
0x48: {  	s17 =	sshra.s32 s16, $0x1F;
	s19 =	sand.u32 $0x3FFF, s16  }
0x49: {  	s18 =	sadd.s32 $0x3FFF, s18;
	p0 =	slt.s32 s16, $0x1;
	s17 =	sshrl.u32 s17, $0x12  }
0x4a: {  	p1 =	sne.s32 s19, $0x0;
	s29 =	sand.u32 $0x3FFF, s18;
	p6 =	slt.s32 s18, $0x1  }
0x4b: {  	s31 =	sshra.s32 s18, $0x1F;
	s19 =	simm.s32 $0x1;
	p2 =	sne.s32 s29, $0x0  }
0x4c: {  	s17 =	sadd.s32 s17, s16;
	p0 =	por !p0, !p1;
	p1 =	por !p6, !p2  }
0x4d: {  	s30 =	sshra.s32 s17, $0xE;
	p0 =	por !p0, !p0;
	s17 =	sshrl.u32 s31, $0x12  }
0x4e: {  	s17 =	sadd.s32 s17, s18;
	p1 =	por !p1, !p1;
	s18 =	simm.s32 $0x1  }
0x4f: {  	s19 =	simm.s32 @!p0 $0x0;
	s17 =	sshra.s32 s17, $0xE;
	s18 =	simm.s32 @!p1 $0x0  }
0x50: {  	s16 =	ssub.s32 s30, s19;
	s17 =	ssub.s32 s17, s18  }
0x51: {  	p0 =	sle.s32 s17, s16  }
0x52: {  	s18 =	sshll.u32 @!p0 s16, $0xB  }
0x53: {  	s18 =	sand.u32 @!p0 $0x1FFFF800, s18  }
0x54: {  	s20 =	simm.s32 @!p0 $0x0;
	s19 =	sadd.s32 @!p0 s1, s18  }
0x55: {  	[tilespmem:s20], [sflag:$0x1] =	stream.linear.gather @!p0 [hbm4b:s19+s20], $0x4000, $0x38;
	[tilespmem:$0x14180] =	vst v63  }
0x56: {  	s18 =	sadd.s32 @!p0 s2, s18;
	s19 =	simm.s32 @!p0 $0x4000  }
0x57: {  	[tilespmem:s19], [sflag:$0x2] =	stream.linear.gather @!p0 [hbm4b:s18+s20], $0x4000, $0x38;
	[tilespmem:$0x14180] =	vst v63  }
0x58: {  	s18 =	simm.s32 $0x10040  }
0x59: {  	[tilespmem:s18+$0xFFFFFFC0] =	vst v3  }
0x5a: {  	[tilespmem:s18+$0x30] =	vst v3  }
0x5b: {  	[tilespmem:s18+$0x20] =	vst v3  }
0x5c: {  	[tilespmem:s18+$0x10] =	vst v3  }
0x5d: {  	[tilespmem:s18+$0x0] =	vst v3  }
0x5e: {  	[tilespmem:s18+$0xFFFFFFF0] =	vst v3  }
0x5f: {  	s19 =	simm.s32 $0x0;
	[tilespmem:s18+$0xFFFFFFE0] =	vst v3  }
.LBB2_4:
0x60: {  	s19 =	sadd.s32 $0x80, s19;
	[tilespmem:s18+$0xFFFFFFD0] =	vst v3;
	s18 =	sadd.s32 $0x80, s18  }
0x61: {  	[tilespmem:s18+$0xFFFFFFC0] =	vst v3;
	p0 =	slt.u32 s19, $0x3F80  }
0x62: {  	[tilespmem:s18+$0x30] =	vst v3  }
.Ltmp3:
0x63: {  	[tilespmem:s18+$0x20] =	vst v3;
	(pc) =	sbr.rel @p0 .LBB2_4-.Ltmp3, $4  }
0x64: {  	[tilespmem:s18+$0x10] =	vst v3  }
0x65: {  	[tilespmem:s18+$0x0] =	vst v3  }
0x66: {  	[tilespmem:s18+$0xFFFFFFF0] =	vst v3  }
0x67: {  	[tilespmem:s18+$0xFFFFFFE0] =	vst v3  }
0x68: {  	s19 =	ssub.s32 s17, s16  }
0x69: {  	p0 =	slt.s32 s19, $0x1  }
.Ltmp4:
0x6a: {  	_ = 	snop;
	(pc) =	sbr.rel @p0 .LBB2_14-.Ltmp4, $3  }
0x6b: {  	_ =	sdelay $0x1  }
0x6c: {  	[tilespmem:s18+$0xFFFFFFD0] =	vst v3  }
0x6d: {  	[tilespmem:$0x14000] =	vst v3  }
.Ltmp5:
0x6e: {  	(pc) =	sbr.rel .LBB2_7-.Ltmp5, $3  }
0x6f: {  	_ =	sdelay $0x1  }
0x70: {  	s18 =	sadd.s32 $0x1, s19  }
0x71: {  	s19 =	simm.s32 $0x0;
	s18 =	sshrl.u32 s18, $0x1  }
.LBB2_13:
0x72: {  	s19 =	sadd.s32 $0x1, s19  }
0x73: {  	p0 =	sne.s32 s19, s18  }
.Ltmp6:
0x74: {  	_ = 	snop;
	(pc) =	sbr.rel @!p0 .LBB2_14-.Ltmp6, $1  }
0x75: {  	_ =	sdelay $0x3  }
.LBB2_7:
0x76: {  	s20 =	sshll.u32 s19, $0x1  }
0x77: {  	_ =	swait.ge [sflag:s9], $0x4000;
	s20 =	sadd.s32 s16, s20  }
0x78: {  	[sflag:s9] =	ssyncset.done $0x0;
	s21 =	sadd.s32 $0x1, s20  }
0x79: {  	[sflag:s9] =	ssyncadd.s32 $0xFFFFC000;
	p0 =	sge.s32 s21, s17  }
0x7a: {  	_ =	swait.ge [sflag:s10], $0x4000;
	s21 =	sshll.u32 @!p0 s21, $0xB  }
0x7b: {  	[sflag:s10] =	ssyncset.done $0x0;
	s23 =	simm.s32 @!p0 $0x0;
	s21 =	sand.u32 @!p0 $0x1FFFF800, s21  }
0x7c: {  	s24 =	simm.s32 @!p0 $0x8000;
	[sflag:s10] =	ssyncadd.s32 $0xFFFFC000;
	s22 =	sadd.s32 @!p0 s1, s21  }
0x7d: {  	[tilespmem:s24], [sflag:$0x3] =	stream.linear.gather @!p0 [hbm4b:s22+s23], $0x4000, $0x38;
	[tilespmem:$0x14180] =	vst v63  }
0x7e: {  	s31 =	simm.s32 $0x4040;
	s21 =	sadd.s32 @!p0 s2, s21;
	s22 =	simm.s32 @!p0 $0xC000  }
0x7f: {  	[tilespmem:s22], [sflag:$0x4] =	stream.linear.gather @!p0 [hbm4b:s21+s23], $0x4000, $0x38;
	[tilespmem:$0x14180] =	vst v63  }
0x80: {  	v5 =	vld [tilespmem:s31+$0x30]  }
0x81: {  	v6 =	vld [tilespmem:s31+$0xFFFFFFC0]  }
0x82: {  	v9 =	vld [tilespmem:s31+$0xFFFFFFE0]  }
0x83: {  	v10 =	vld [tilespmem:s31+$0xFFFFFFF0]  }
0x84: {  	v11 =	vld [tilespmem:s31+$0x0]  }
0x85: {  	v8 =	vld [tilespmem:s31+$0xFFFFFFD0]  }
0x86: {  	s21 =	simm.s32 $0x40  }
0x87: {  	v7 =	vld [tilespmem:s21+$0x30]  }
0x88: {  	v58 =	vld [tilespmem:s21+$0xFFFFFFE0];
	v5 =	vsub.s32 v5, v0;
	v6 =	vsub.s32 v6, v0  }
0x89: {  	v14 =	vld [tilespmem:s21+$0x0];
	v9 =	vsub.s32 v9, v0;
	v10 =	vsub.s32 v10, v0;
	v11 =	vsub.s32 v11, v0  }
0x8a: {  	v13 =	vld [tilespmem:s21+$0xFFFFFFD0];
	v12 =	vshll.u32 v5, $0x7;
	vm1 =	vlt.u32 v5, $0x80;
	v5 =	vsub.s32 v8, v0  }
0x8b: {  	v8 =	vld [tilespmem:s21+$0xFFFFFFF0];
	vm3 =	vlt.u32 v9, $0x80;
	v9 =	vshll.u32 v9, $0x7;
	vm4 =	vlt.u32 v10, $0x80  }
0x8c: {  	v16 =	vld [tilespmem:s31+$0x20];
	v60 =	vshll.u32 v11, $0x7;
	vm5 =	vlt.u32 v11, $0x80;
	v7 =	vadd.s32 v7, v12  }
0x8d: {  	v15 =	vld [tilespmem:s31+$0x10];
	vm2 =	vlt.u32 v5, $0x80;
	v9 =	vadd.s32 v58, v9;
	v7 =	vmin.u32 v7, $0x3FFF  }
0x8e: {  	v61 =	vld [tilespmem:s21+$0x20];
	v5 =	vshll.u32 v5, $0x7;
	v12 =	vadd.s32 v14, v60;
	v9 =	vmin.u32 v9, $0x3FFF  }
0x8f: {  	v59 =	vld [tilespmem:s21+$0x10];
	v10 =	vshll.u32 v10, $0x7;
	v5 =	vadd.s32 v13, v5;
	v12 =	vmin.u32 v12, $0x3FFF  }
0x90: {  	v62 =	vld [tilespmem:s21+$0xFFFFFFC0];
	v63 =	vshll.u32 v6, $0x7;
	v5 =	vmin.u32 v5, $0x3FFF;
	v8 =	vadd.s32 v8, v10  }
0x91: {  	vm6 =	vlt.u32 v6, $0x80;
	v6 =	vsub.s32 v16, v0;
	v8 =	vmin.u32 v8, $0x3FFF  }
0x92: {  	v15 =	vsub.s32 v15, v0;
	vm8 =	vlt.u32 v6, $0x80;
	v6 =	vshll.u32 v6, $0x7;
	[tilespmem:v7+s11+$0x0] =	vst.idx.add.f32.msk vm1, v4  }
0x93: {  	vm7 =	vlt.u32 v15, $0x80;
	v6 =	vadd.s32 v61, v6;
	[tilespmem:v9+s11+$0x0] =	vst.idx.add.f32.msk vm3, v4  }
0x94: {  	v6 =	vmin.u32 v6, $0x3FFF;
	v7 =	vshll.u32 v15, $0x7;
	vm1 =	vmmov vm6;
	[tilespmem:v12+s11+$0x0] =	vst.idx.add.f32.msk vm5, v4  }
0x95: {  	vm3 =	vmmov vm8;
	[tilespmem:v5+s11+$0x0] =	vst.idx.add.f32.msk vm2, v4;
	v5 =	vadd.s32 v59, v7;
	v7 =	vadd.s32 v62, v63  }
0x96: {  	s22 =	simm.s32 $0x0;
	s23 =	simm.s32 $0x40C0;
	vm2 =	vmmov vm7;
	v5 =	vmin.u32 v5, $0x3FFF;
	v7 =	vmin.u32 v7, $0x3FFF;
	[tilespmem:v8+s11+$0x0] =	vst.idx.add.f32.msk vm4, v4  }
.LBB2_8:
0x97: {  	v8 =	vld [tilespmem:s23+$0x30];
	s22 =	sadd.s32 $0x80, s22  }
0x98: {  	s21 =	sadd.s32 $0x80, s21;
	v9 =	vld [tilespmem:s23+$0xFFFFFFC0];
	p1 =	slt.u32 s22, $0x3F80  }
0x99: {  	v10 =	vld [tilespmem:s21+$0x30]  }
0x9a: {  	v11 =	vld [tilespmem:s23+$0xFFFFFFD0]  }
0x9b: {  	v12 =	vld [tilespmem:s23+$0xFFFFFFE0]  }
0x9c: {  	v13 =	vld [tilespmem:s23+$0xFFFFFFF0];
	v8 =	vsub.s32 v8, v0  }
0x9d: {  	v9 =	vsub.s32 v9, v0;
	v14 =	vld [tilespmem:s23+$0x0];
	v15 =	vshll.u32 v8, $0x7  }
0x9e: {  	vm9 =	vlt.u32 v8, $0x80;
	v16 =	vshll.u32 v9, $0x7;
	v17 =	vld [tilespmem:s23+$0x10];
	v8 =	vadd.s32 v10, v15  }
0x9f: {  	vm7 =	vlt.u32 v9, $0x80;
	v9 =	vsub.s32 v11, v0;
	v10 =	vld [tilespmem:s23+$0x20];
	v8 =	vmin.u32 v8, $0x3FFF  }
0xa0: {  	v11 =	vld [tilespmem:s21+$0xFFFFFFD0];
	vm4 =	vlt.u32 v9, $0x80;
	v9 =	vshll.u32 v9, $0x7;
	v12 =	vsub.s32 v12, v0  }
0xa1: {  	v15 =	vld [tilespmem:s21+$0xFFFFFFE0];
	vm5 =	vlt.u32 v12, $0x80;
	v12 =	vshll.u32 v12, $0x7;
	v13 =	vsub.s32 v13, v0  }
0xa2: {  	v18 =	vld [tilespmem:s21+$0xFFFFFFF0];
	vm6 =	vlt.u32 v13, $0x80;
	v13 =	vshll.u32 v13, $0x7;
	v14 =	vsub.s32 v14, v0  }
0xa3: {  	v19 =	vld [tilespmem:s21+$0x0];
	vm8 =	vlt.u32 v14, $0x80;
	v14 =	vshll.u32 v14, $0x7;
	v17 =	vsub.s32 v17, v0  }
0xa4: {  	vm10 =	vlt.u32 v17, $0x80;
	v17 =	vshll.u32 v17, $0x7;
	v10 =	vsub.s32 v10, v0;
	[tilespmem:v8+s11+$0x0] =	vst.idx.add.f32.msk vm9, v4  }
0xa5: {  	v8 =	vadd.s32 v11, v9;
	v9 =	vld [tilespmem:s21+$0x10];
	vm9 =	vlt.u32 v10, $0x80;
	v10 =	vshll.u32 v10, $0x7  }
0xa6: {  	v8 =	vmin.u32 v8, $0x3FFF;
	v11 =	vadd.s32 v15, v12;
	v12 =	vld [tilespmem:s21+$0x20]  }
0xa7: {  	v15 =	vld [tilespmem:s21+$0xFFFFFFC0];
	v11 =	vmin.u32 v11, $0x3FFF;
	v13 =	vadd.s32 v18, v13  }
0xa8: {  	v13 =	vmin.u32 v13, $0x3FFF;
	v14 =	vadd.s32 v19, v14;
	[tilespmem:v7+s11+$0x0] =	vst.idx.add.f32.msk vm1, v4;
	vm1 =	vmmov vm7  }
0xa9: {  	v14 =	vmin.u32 v14, $0x3FFF;
	[tilespmem:v5+s11+$0x0] =	vst.idx.add.f32.msk vm2, v4;
	vm2 =	vmmov vm10  }
.Ltmp7:
0xaa: {  	v5 =	vadd.s32 v9, v17;
	[tilespmem:v6+s11+$0x0] =	vst.idx.add.f32.msk vm3, v4;
	vm3 =	vmmov vm9;
	(pc) =	sbr.rel @p1 .LBB2_8-.Ltmp7, $4  }
0xab: {  	[tilespmem:v8+s11+$0x0] =	vst.idx.add.f32.msk vm4, v4;
	v5 =	vmin.u32 v5, $0x3FFF;
	v6 =	vadd.s32 v12, v10  }
0xac: {  	v7 =	vadd.s32 v15, v16;
	[tilespmem:v11+s11+$0x0] =	vst.idx.add.f32.msk vm5, v4;
	v6 =	vmin.u32 v6, $0x3FFF  }
0xad: {  	v7 =	vmin.u32 v7, $0x3FFF;
	[tilespmem:v13+s11+$0x0] =	vst.idx.add.f32.msk vm6, v4  }
0xae: {  	s23 =	sadd.s32 $0x80, s23;
	[tilespmem:v14+s11+$0x0] =	vst.idx.add.f32.msk vm8, v4  }
0xaf: {  	_ =	sdelay $0x2  }
.Ltmp8:
0xb0: {  	_ = 	snop;
	(pc) =	sbr.rel @p0 .LBB2_13-.Ltmp8, $4  }
0xb1: {  	_ = 	snop  }
0xb2: {  	[tilespmem:v7+s11+$0x0] =	vst.idx.add.f32.msk vm1, v4  }
0xb3: {  	[tilespmem:v5+s11+$0x0] =	vst.idx.add.f32.msk vm2, v4  }
0xb4: {  	[tilespmem:v6+s11+$0x0] =	vst.idx.add.f32.msk vm3, v4  }
0xb5: {  	_ =	swait.ge [sflag:s12], $0x4000  }
0xb6: {  	s20 =	sadd.s32 $0x2, s20;
	[sflag:s12] =	ssyncset.done $0x0  }
0xb7: {  	p0 =	sge.s32 s20, s17;
	[sflag:s12] =	ssyncadd.s32 $0xFFFFC000  }
0xb8: {  	s20 =	sshll.u32 @!p0 s20, $0xB;
	_ =	swait.ge [sflag:s13], $0x4000  }
0xb9: {  	s20 =	sand.u32 @!p0 $0x1FFFF800, s20;
	[sflag:s13] =	ssyncset.done $0x0  }
0xba: {  	s22 =	simm.s32 @!p0 $0x0;
	s21 =	sadd.s32 @!p0 s1, s20;
	[sflag:s13] =	ssyncadd.s32 $0xFFFFC000  }
0xbb: {  	[tilespmem:s22], [sflag:$0x1] =	stream.linear.gather @!p0 [hbm4b:s21+s22], $0x4000, $0x38;
	[tilespmem:$0x14180] =	vst v63  }
0xbc: {  	s31 =	simm.s32 $0xC040;
	s20 =	sadd.s32 @!p0 s2, s20;
	s21 =	simm.s32 @!p0 $0x4000  }
0xbd: {  	[tilespmem:s21], [sflag:$0x2] =	stream.linear.gather @!p0 [hbm4b:s20+s22], $0x4000, $0x38;
	[tilespmem:$0x14180] =	vst v63  }
0xbe: {  	v5 =	vld [tilespmem:s31+$0x30]  }
0xbf: {  	v6 =	vld [tilespmem:s31+$0xFFFFFFC0]  }
0xc0: {  	v9 =	vld [tilespmem:s31+$0xFFFFFFE0]  }
0xc1: {  	v10 =	vld [tilespmem:s31+$0xFFFFFFF0]  }
0xc2: {  	v11 =	vld [tilespmem:s31+$0x0]  }
0xc3: {  	v8 =	vld [tilespmem:s31+$0xFFFFFFD0]  }
0xc4: {  	s20 =	simm.s32 $0x8040  }
0xc5: {  	v7 =	vld [tilespmem:s20+$0x30]  }
0xc6: {  	v58 =	vld [tilespmem:s20+$0xFFFFFFE0];
	v5 =	vsub.s32 v5, v0;
	v6 =	vsub.s32 v6, v0  }
0xc7: {  	v14 =	vld [tilespmem:s20+$0x0];
	v9 =	vsub.s32 v9, v0;
	v10 =	vsub.s32 v10, v0;
	v11 =	vsub.s32 v11, v0  }
0xc8: {  	v13 =	vld [tilespmem:s20+$0xFFFFFFD0];
	v12 =	vshll.u32 v5, $0x7;
	vm1 =	vlt.u32 v5, $0x80;
	v5 =	vsub.s32 v8, v0  }
0xc9: {  	v8 =	vld [tilespmem:s20+$0xFFFFFFF0];
	vm3 =	vlt.u32 v9, $0x80;
	v9 =	vshll.u32 v9, $0x7;
	vm4 =	vlt.u32 v10, $0x80  }
0xca: {  	v16 =	vld [tilespmem:s31+$0x20];
	v60 =	vshll.u32 v11, $0x7;
	vm5 =	vlt.u32 v11, $0x80;
	v7 =	vadd.s32 v7, v12  }
0xcb: {  	v15 =	vld [tilespmem:s31+$0x10];
	vm2 =	vlt.u32 v5, $0x80;
	v9 =	vadd.s32 v58, v9;
	v7 =	vmin.u32 v7, $0x3FFF  }
0xcc: {  	v61 =	vld [tilespmem:s20+$0x20];
	v5 =	vshll.u32 v5, $0x7;
	v12 =	vadd.s32 v14, v60;
	v9 =	vmin.u32 v9, $0x3FFF  }
0xcd: {  	v59 =	vld [tilespmem:s20+$0x10];
	v10 =	vshll.u32 v10, $0x7;
	v5 =	vadd.s32 v13, v5;
	v12 =	vmin.u32 v12, $0x3FFF  }
0xce: {  	v62 =	vld [tilespmem:s20+$0xFFFFFFC0];
	v63 =	vshll.u32 v6, $0x7;
	v5 =	vmin.u32 v5, $0x3FFF;
	v8 =	vadd.s32 v8, v10  }
0xcf: {  	vm6 =	vlt.u32 v6, $0x80;
	v6 =	vsub.s32 v16, v0;
	v8 =	vmin.u32 v8, $0x3FFF  }
0xd0: {  	v15 =	vsub.s32 v15, v0;
	vm8 =	vlt.u32 v6, $0x80;
	v6 =	vshll.u32 v6, $0x7;
	[tilespmem:v7+s11+$0x0] =	vst.idx.add.f32.msk vm1, v4  }
0xd1: {  	vm7 =	vlt.u32 v15, $0x80;
	v6 =	vadd.s32 v61, v6;
	[tilespmem:v9+s11+$0x0] =	vst.idx.add.f32.msk vm3, v4  }
0xd2: {  	v6 =	vmin.u32 v6, $0x3FFF;
	v7 =	vshll.u32 v15, $0x7;
	vm1 =	vmmov vm6;
	[tilespmem:v12+s11+$0x0] =	vst.idx.add.f32.msk vm5, v4  }
0xd3: {  	vm3 =	vmmov vm8;
	[tilespmem:v5+s11+$0x0] =	vst.idx.add.f32.msk vm2, v4;
	v5 =	vadd.s32 v59, v7;
	v7 =	vadd.s32 v62, v63  }
0xd4: {  	s21 =	simm.s32 $0x0;
	s22 =	simm.s32 $0xC0C0;
	vm2 =	vmmov vm7;
	v5 =	vmin.u32 v5, $0x3FFF;
	v7 =	vmin.u32 v7, $0x3FFF;
	[tilespmem:v8+s11+$0x0] =	vst.idx.add.f32.msk vm4, v4  }
.LBB2_11:
0xd5: {  	v8 =	vld [tilespmem:s22+$0x30];
	s21 =	sadd.s32 $0x80, s21  }
0xd6: {  	s20 =	sadd.s32 $0x80, s20;
	v9 =	vld [tilespmem:s22+$0xFFFFFFC0];
	p0 =	slt.u32 s21, $0x3F80  }
0xd7: {  	v10 =	vld [tilespmem:s20+$0x30]  }
0xd8: {  	v11 =	vld [tilespmem:s22+$0xFFFFFFD0]  }
0xd9: {  	v12 =	vld [tilespmem:s22+$0xFFFFFFE0]  }
0xda: {  	v13 =	vld [tilespmem:s22+$0xFFFFFFF0];
	v8 =	vsub.s32 v8, v0  }
0xdb: {  	v9 =	vsub.s32 v9, v0;
	v14 =	vld [tilespmem:s22+$0x0];
	v15 =	vshll.u32 v8, $0x7  }
0xdc: {  	vm9 =	vlt.u32 v8, $0x80;
	v16 =	vshll.u32 v9, $0x7;
	v17 =	vld [tilespmem:s22+$0x10];
	v8 =	vadd.s32 v10, v15  }
0xdd: {  	vm7 =	vlt.u32 v9, $0x80;
	v9 =	vsub.s32 v11, v0;
	v10 =	vld [tilespmem:s22+$0x20];
	v8 =	vmin.u32 v8, $0x3FFF  }
0xde: {  	v11 =	vld [tilespmem:s20+$0xFFFFFFD0];
	vm4 =	vlt.u32 v9, $0x80;
	v9 =	vshll.u32 v9, $0x7;
	v12 =	vsub.s32 v12, v0  }
0xdf: {  	v15 =	vld [tilespmem:s20+$0xFFFFFFE0];
	vm5 =	vlt.u32 v12, $0x80;
	v12 =	vshll.u32 v12, $0x7;
	v13 =	vsub.s32 v13, v0  }
0xe0: {  	v18 =	vld [tilespmem:s20+$0xFFFFFFF0];
	vm6 =	vlt.u32 v13, $0x80;
	v13 =	vshll.u32 v13, $0x7;
	v14 =	vsub.s32 v14, v0  }
0xe1: {  	v19 =	vld [tilespmem:s20+$0x0];
	vm8 =	vlt.u32 v14, $0x80;
	v14 =	vshll.u32 v14, $0x7;
	v17 =	vsub.s32 v17, v0  }
0xe2: {  	vm10 =	vlt.u32 v17, $0x80;
	v17 =	vshll.u32 v17, $0x7;
	v10 =	vsub.s32 v10, v0;
	[tilespmem:v8+s11+$0x0] =	vst.idx.add.f32.msk vm9, v4  }
0xe3: {  	v8 =	vadd.s32 v11, v9;
	v9 =	vld [tilespmem:s20+$0x10];
	vm9 =	vlt.u32 v10, $0x80;
	v10 =	vshll.u32 v10, $0x7  }
0xe4: {  	v8 =	vmin.u32 v8, $0x3FFF;
	v11 =	vadd.s32 v15, v12;
	v12 =	vld [tilespmem:s20+$0x20]  }
0xe5: {  	v15 =	vld [tilespmem:s20+$0xFFFFFFC0];
	v11 =	vmin.u32 v11, $0x3FFF;
	v13 =	vadd.s32 v18, v13  }
0xe6: {  	v13 =	vmin.u32 v13, $0x3FFF;
	v14 =	vadd.s32 v19, v14;
	[tilespmem:v7+s11+$0x0] =	vst.idx.add.f32.msk vm1, v4;
	vm1 =	vmmov vm7  }
0xe7: {  	v14 =	vmin.u32 v14, $0x3FFF;
	[tilespmem:v5+s11+$0x0] =	vst.idx.add.f32.msk vm2, v4;
	vm2 =	vmmov vm10  }
.Ltmp9:
0xe8: {  	v5 =	vadd.s32 v9, v17;
	[tilespmem:v6+s11+$0x0] =	vst.idx.add.f32.msk vm3, v4;
	vm3 =	vmmov vm9;
	(pc) =	sbr.rel @p0 .LBB2_11-.Ltmp9, $4  }
0xe9: {  	[tilespmem:v8+s11+$0x0] =	vst.idx.add.f32.msk vm4, v4;
	v5 =	vmin.u32 v5, $0x3FFF;
	v6 =	vadd.s32 v12, v10  }
0xea: {  	v7 =	vadd.s32 v15, v16;
	[tilespmem:v11+s11+$0x0] =	vst.idx.add.f32.msk vm5, v4;
	v6 =	vmin.u32 v6, $0x3FFF  }
0xeb: {  	v7 =	vmin.u32 v7, $0x3FFF;
	[tilespmem:v13+s11+$0x0] =	vst.idx.add.f32.msk vm6, v4  }
0xec: {  	s22 =	sadd.s32 $0x80, s22;
	[tilespmem:v14+s11+$0x0] =	vst.idx.add.f32.msk vm8, v4  }
0xed: {  	_ =	sdelay $0x2  }
.Ltmp10:
0xee: {  	_ = 	snop;
	(pc) =	sbr.rel .LBB2_13-.Ltmp10, $4  }
0xef: {  	_ = 	snop  }
0xf0: {  	[tilespmem:v7+s11+$0x0] =	vst.idx.add.f32.msk vm1, v4  }
0xf1: {  	[tilespmem:v5+s11+$0x0] =	vst.idx.add.f32.msk vm2, v4  }
0xf2: {  	[tilespmem:v6+s11+$0x0] =	vst.idx.add.f32.msk vm3, v4  }
.LBB2_15:
0xf3: {  	_ =	sfence.sel $0x180000  }
0xf4: {  	[bflag:$0x0] =	sbarrier.arrive $0xFFFF  }
0xf5: {  	p0 =	sne.s32 s3, $0x0;
	_ =	strace $0x90000047  }
0xf6: {  	s0 =	sadd.s32 @!p0 $0x100000, s0;
	[bflag:$0x2] =	sbarrier.arrive $0xFFFF  }
0xf7: {  	[sflag:s0] =	ssyncadd.tile.s32 @!p0 $0x1;
	_ =	shalt  }
.Lfunc_end2:
_tile_overlayer_lowered:
.L_overlay_start_2:
0xf8: {  	(tag) =	ssettag $0x2  }
0xf9: {  	s0 =	rddreg [dreg:$0x0];
	s2 =	stileid.u32  }
0xfa: {  	s1 =	rddreg [dreg:$0x1];
	p0 =	sne.s32 s2, $0x0  }
0xfb: {  	s3 =	rddreg [dreg:$0x2];
	[bflag:$0x3] =	sbarrier.arrive $0xFFFF;
	s2 =	simm.s32 @!p0 $0x1C05  }
0xfc: {  	[timem:s3], [sflag:s2] =	dma.local @!p0 [hbm:s0], s1  }
0xfd: {  	s0 =	simm.s32 @!p0 $0x5  }
0xfe: {  	_ =	swait.ge @!p0 [sflag:s0], s1  }
0xff: {  	s1 =	ssub.s32 @!p0 $0x0, s1;
	[sflag:s0] =	ssyncset.done @!p0 $0x0  }
0x100: {  	[sflag:s0] =	ssyncadd.s32 @!p0 s1  }
0x101: {  	[bflag:$0x3] =	sbarrier.arrive $0xFFFF  }
0x102: {  	_ =	shalt  }

</sc_bundles>
